<compile_context>
chip_gen: v7x
topology: tpu7x:2x2x1
jax: 0.10.2.dev20260603
libtpu: 0.0.44.dev20260713+nightly
codegen_flags: <defaults>
</compile_context>

<pallas_src>
import functools

import jax
import jax.numpy as jnp
from jax import lax
from jax.experimental import pallas as pl
from jax.experimental.pallas import tpu as pltpu
from jax.experimental.pallas import tpu_sc as plsc

NCLS = 10000
BATCH = 4096
DIM = 512
MIX_ALPHA = 0.2

NWORKERS = 32
ROWS_PER_W = BATCH // NWORKERS
CHUNK = 8
NCHUNKS = ROWS_PER_W // CHUNK
LANES = 16

TC_BLK = 128


def _tc_mix_body(lam_ref, p_ref, a_ref, b_ref, o_ref):
    lam = lam_ref[0, 0]
    rev = jnp.dot(p_ref[...], b_ref[...], preferred_element_type=jnp.float32)
    o_ref[...] = a_ref[...] * lam + rev * (1.0 - lam)


_sc_mesh = plsc.VectorSubcoreMesh(core_axis_name="c", subcore_axis_name="s")


@functools.partial(
    pl.kernel,
    mesh=_sc_mesh,
    compiler_params=pltpu.CompilerParams(needs_layout_passes=False),
    out_type=jax.ShapeDtypeStruct((BATCH, NCLS), jnp.float32),
    scratch_types=[
        pltpu.VMEM((ROWS_PER_W,), jnp.int32),
        pltpu.VMEM((ROWS_PER_W,), jnp.int32),
        pltpu.VMEM((2 * LANES,), jnp.float32),
        pltpu.VMEM((CHUNK, NCLS), jnp.float32),
        pltpu.SemaphoreType.DMA,
    ],
)
def _sc_targets(tgt_hbm, vals_hbm, zeros_hbm, out_hbm,
                tgt_v, rev_v, vals_v, buf, zsem):
    cid = lax.axis_index("c")
    sid = lax.axis_index("s")
    wid = sid * 2 + cid
    base = wid * ROWS_PER_W

    zh = pltpu.async_copy(zeros_hbm, buf, zsem)
    pltpu.sync_copy(tgt_hbm.at[pl.ds(base, ROWS_PER_W)], tgt_v)
    pltpu.sync_copy(
        tgt_hbm.at[pl.ds(BATCH - base - ROWS_PER_W, ROWS_PER_W)], rev_v)
    pltpu.sync_copy(vals_hbm, vals_v)

    jlane = lax.iota(jnp.int32, 16)
    jrow = jlane & (CHUNK - 1)
    lo = jlane < CHUNK
    v_nocoll = vals_v[pl.ds(0, LANES)]
    v_coll = vals_v[pl.ds(LANES, LANES)]
    zf = jnp.zeros((LANES,), jnp.float32)
    zh.wait()

    for c in range(NCHUNKS):
        idx_l = c * CHUNK + jrow
        ca = plsc.load_gather(tgt_v, [idx_l])
        cb = plsc.load_gather(rev_v, [(ROWS_PER_W - 1) - idx_l])
        coll = ca == cb
        cols = jnp.where(lo, ca, cb)
        vals = jnp.where(coll, v_coll, v_nocoll)
        mask = jnp.logical_or(lo, jnp.logical_not(coll))
        plsc.store_scatter(buf, [jrow, cols], vals, mask=mask)
        pltpu.sync_copy(buf, out_hbm.at[pl.ds(base + c * CHUNK, CHUNK)])
        plsc.store_scatter(buf, [jrow, cols], zf, mask=mask)


def kernel(inputs, targets):
    lam = jax.random.beta(jax.random.key(42), MIX_ALPHA, MIX_ALPHA)
    lam = lam.astype(jnp.float32)
    lamc = 1.0 - lam

    nblk = BATCH // TC_BLK
    perm = jnp.flipud(jnp.eye(TC_BLK, dtype=jnp.float32))
    inputs_mixed = pl.pallas_call(
        _tc_mix_body,
        grid=(nblk,),
        in_specs=[
            pl.BlockSpec((1, 1), lambda i: (0, 0)),
            pl.BlockSpec((TC_BLK, TC_BLK), lambda i: (0, 0)),
            pl.BlockSpec((TC_BLK, DIM), lambda i: (i, 0)),
            pl.BlockSpec((TC_BLK, DIM), lambda i: (nblk - 1 - i, 0)),
        ],
        out_specs=pl.BlockSpec((TC_BLK, DIM), lambda i: (i, 0)),
        out_shape=jax.ShapeDtypeStruct((BATCH, DIM), jnp.float32),
    )(lam.reshape(1, 1), perm, inputs, inputs)

    vals = jnp.concatenate([
        jnp.full((CHUNK,), lam, jnp.float32),
        jnp.full((CHUNK,), lamc, jnp.float32),
        jnp.full((LANES,), lam + lamc, jnp.float32),
    ])
    zeros_hbm = jnp.zeros((CHUNK, NCLS), jnp.float32)
    targets_mixed = _sc_targets(targets, vals, zeros_hbm)

    return (inputs_mixed, targets_mixed)

# --- scband reference (transcript-rebuilt; emitter-appended) ---
"""Pipeline reference for scband-mixup-13426067767345 (READ-ONLY COPY).

The authoritative reference and input builder live on the scoring server;
editing this copy changes nothing except your own understanding.
"""

import jax, jax.numpy as jnp
import numpy as np

NUM_CLASSES = 10000
ALPHA = 0.2

def one_hot(y):
    y = y.astype(jnp.int32).reshape(-1, 1)
    batch = y.shape[0]
    oh = jnp.zeros((batch, NUM_CLASSES), dtype=jnp.float32)
    oh = oh.at[jnp.arange(batch)[:, None], y].set(1.0)
    return oh

def setup_inputs(seed: int = 0) -> dict:
    key = jax.random.key(seed)
    k1, k2 = jax.random.split(key)
    inputs = jax.random.normal(k1, (4096, 512), dtype=jnp.float32)
    targets = jax.random.randint(k2, (4096,), 0, NUM_CLASSES, dtype=jnp.int32)
    return {"inputs": inputs, "targets": targets}

def reference(inputs, targets):
    # lam ~ Beta(alpha, alpha); fixed key for determinism
    lam = jax.random.beta(jax.random.key(42), ALPHA, ALPHA)
    t = one_hot(targets)
    inputs_flipped = jnp.flip(inputs, axis=0) * (1.0 - lam)
    targets_flipped = jnp.flip(t, axis=0) * (1.0 - lam)
    inputs_mixed = inputs * lam + inputs_flipped
    targets_mixed = t * lam + targets_flipped
    return (inputs_mixed, targets_mixed)

if __name__ == "__main__":
    import jax
    _d = setup_inputs()
    print(jax.jit(kernel)(*tuple(_d.values())))

</pallas_src>

<mosaic_0001>
#map = affine_map<(d0, d1) -> (0)>
#map1 = affine_map<(d0, d1) -> (0, 0)>
module attributes {stable_mosaic.version = 14 : i64} {
  func.func @_sc_targets(%arg0: i32, %arg1: i32, %arg2: memref<4096xi32, #tpu.memory_space<hbm>>, %arg3: memref<32xf32, #tpu.memory_space<hbm>>, %arg4: memref<8x10000xf32, #tpu.memory_space<hbm>>, %arg5: memref<4096x10000xf32, #tpu.memory_space<hbm>>, %arg6: memref<128xi32, #tpu.memory_space<vmem>>, %arg7: memref<128xi32, #tpu.memory_space<vmem>>, %arg8: memref<32xf32, #tpu.memory_space<vmem>>, %arg9: memref<8x10000xf32, #tpu.memory_space<vmem>>, %arg10: memref<!tpu.dma_semaphore, #tpu.memory_space<semaphore_mem>>) attributes {dimension_semantics = [#tpu.dimension_semantics<core_parallel>, #tpu.dimension_semantics<subcore_parallel>], iteration_bounds = array<i64: 2, 16>, scalar_prefetch = 0 : i64, scratch_operands = 5 : i64, tpu.core_type = #tpu.core_type<sc_vector_subcore>, window_params = [{transform_indices = #map}, {transform_indices = #map}, {transform_indices = #map1}, {transform_indices = #map1}]} {
    %mul3A = arith.constant 2 : i32
    %mul3A_0 = arith.muli %arg1, %mul3A : i32
    %add3A = arith.addi %mul3A_0, %arg0 : i32
    %mul3A_1 = arith.constant 128 : i32
    %mul3A_2 = arith.muli %add3A, %mul3A_1 : i32
    tpu.enqueue_dma source(%arg4 : memref<8x10000xf32, #tpu.memory_space<hbm>>) target(%arg9 : memref<8x10000xf32, #tpu.memory_space<vmem>>) target_semaphore(%arg10 : memref<!tpu.dma_semaphore, #tpu.memory_space<semaphore_mem>>)
    "tpu.region"() ({
      %run_scoped3A = tpu.sem_alloc : memref<!tpu.dma_semaphore, #tpu.memory_space<semaphore_mem>>
      %dma_start3A = tpu.memref_slice %arg2[%mul3A_2] : memref<4096xi32, #tpu.memory_space<hbm>> -> memref<128xi32, #tpu.memory_space<hbm>>
      %dma_start3A_265 = tpu.memref_slice %arg2[%mul3A_2] : memref<4096xi32, #tpu.memory_space<hbm>> -> memref<128xi32, #tpu.memory_space<hbm>>
      tpu.enqueue_dma source(%dma_start3A_265 : memref<128xi32, #tpu.memory_space<hbm>>) target(%arg6 : memref<128xi32, #tpu.memory_space<vmem>>) target_semaphore(%run_scoped3A : memref<!tpu.dma_semaphore, #tpu.memory_space<semaphore_mem>>)
      %dma_wait3A = tpu.memref_slice %arg2[%mul3A_2] : memref<4096xi32, #tpu.memory_space<hbm>> -> memref<128xi32, #tpu.memory_space<hbm>>
      %dma_wait3A_266 = tpu.memref_slice %arg2[%mul3A_2] : memref<4096xi32, #tpu.memory_space<hbm>> -> memref<128xi32, #tpu.memory_space<hbm>>
      tpu.wait_dma2 semaphore(%run_scoped3A : memref<!tpu.dma_semaphore, #tpu.memory_space<semaphore_mem>>) src(%dma_wait3A_266 : memref<128xi32, #tpu.memory_space<hbm>>) dst(%arg6 : memref<128xi32, #tpu.memory_space<vmem>>)
      tpu.yield
    }) : () -> ()
    %sub3A = arith.constant 4096 : i32
    %sub3A_3 = arith.subi %sub3A, %mul3A_2 : i32
    %sub3A_4 = arith.constant 128 : i32
    %sub3A_5 = arith.subi %sub3A_3, %sub3A_4 : i32
    "tpu.region"() ({
      %run_scoped3A = tpu.sem_alloc : memref<!tpu.dma_semaphore, #tpu.memory_space<semaphore_mem>>
      %dma_start3A = tpu.memref_slice %arg2[%sub3A_5] : memref<4096xi32, #tpu.memory_space<hbm>> -> memref<128xi32, #tpu.memory_space<hbm>>
      %dma_start3A_265 = tpu.memref_slice %arg2[%sub3A_5] : memref<4096xi32, #tpu.memory_space<hbm>> -> memref<128xi32, #tpu.memory_space<hbm>>
      tpu.enqueue_dma source(%dma_start3A_265 : memref<128xi32, #tpu.memory_space<hbm>>) target(%arg7 : memref<128xi32, #tpu.memory_space<vmem>>) target_semaphore(%run_scoped3A : memref<!tpu.dma_semaphore, #tpu.memory_space<semaphore_mem>>)
      %dma_wait3A = tpu.memref_slice %arg2[%sub3A_5] : memref<4096xi32, #tpu.memory_space<hbm>> -> memref<128xi32, #tpu.memory_space<hbm>>
      %dma_wait3A_266 = tpu.memref_slice %arg2[%sub3A_5] : memref<4096xi32, #tpu.memory_space<hbm>> -> memref<128xi32, #tpu.memory_space<hbm>>
      tpu.wait_dma2 semaphore(%run_scoped3A : memref<!tpu.dma_semaphore, #tpu.memory_space<semaphore_mem>>) src(%dma_wait3A_266 : memref<128xi32, #tpu.memory_space<hbm>>) dst(%arg7 : memref<128xi32, #tpu.memory_space<vmem>>)
      tpu.yield
    }) : () -> ()
    "tpu.region"() ({
      %run_scoped3A = tpu.sem_alloc : memref<!tpu.dma_semaphore, #tpu.memory_space<semaphore_mem>>
      tpu.enqueue_dma source(%arg3 : memref<32xf32, #tpu.memory_space<hbm>>) target(%arg8 : memref<32xf32, #tpu.memory_space<vmem>>) target_semaphore(%run_scoped3A : memref<!tpu.dma_semaphore, #tpu.memory_space<semaphore_mem>>)
      tpu.wait_dma2 semaphore(%run_scoped3A : memref<!tpu.dma_semaphore, #tpu.memory_space<semaphore_mem>>) src(%arg3 : memref<32xf32, #tpu.memory_space<hbm>>) dst(%arg8 : memref<32xf32, #tpu.memory_space<vmem>>)
      tpu.yield
    }) : () -> ()
    %iota3A = tpu.iota {dimensions = array<i32: 0>} : vector<16xi32>
    %and3A = arith.constant 7 : i32
    %and3A_6 = vector.broadcast %and3A : i32 to vector<16xi32>
    %and3A_7 = arith.andi %iota3A, %and3A_6 : vector<16xi32>
    %lt3A = arith.constant 8 : i32
    %lt3A_8 = vector.broadcast %lt3A : i32 to vector<16xi32>
    %lt3A_9 = arith.cmpi slt, %iota3A, %lt3A_8 : vector<16xi32>
    %get3A = arith.constant 0 : index
    %get3A_10 = tpu.vector_load %arg8[%get3A] {strides = array<i32>} : memref<32xf32, #tpu.memory_space<vmem>>, vector<16xf32>,
    %get3A_11 = arith.constant 16 : index
    %get3A_12 = tpu.vector_load %arg8[%get3A_11] {strides = array<i32>} : memref<32xf32, #tpu.memory_space<vmem>>, vector<16xf32>,
    %broadcast_in_dim3A = arith.constant 0.000000e+00 : f32
    %broadcast_in_dim3A_13 = vector.broadcast %broadcast_in_dim3A : f32 to vector<16xf32>
    tpu.wait_dma2 semaphore(%arg10 : memref<!tpu.dma_semaphore, #tpu.memory_space<semaphore_mem>>) src(%arg4 : memref<8x10000xf32, #tpu.memory_space<hbm>>) dst(%arg9 : memref<8x10000xf32, #tpu.memory_space<vmem>>)
    %add3A_14 = arith.constant 0 : i32
    %add3A_15 = vector.broadcast %add3A_14 : i32 to vector<16xi32>
    %add3A_16 = arith.addi %add3A_15, %and3A_7 : vector<16xi32>
    %gather3A = tpu.vector_load_idx %arg6[%add3A_16] : memref<128xi32, #tpu.memory_space<vmem>>[vector<16xi32>], vector<16xi32>,
    %sub3A_17 = arith.constant 127 : i32
    %sub3A_18 = vector.broadcast %sub3A_17 : i32 to vector<16xi32>
    %sub3A_19 = arith.subi %sub3A_18, %add3A_16 : vector<16xi32>
    %gather3A_20 = tpu.vector_load_idx %arg7[%sub3A_19] : memref<128xi32, #tpu.memory_space<vmem>>[vector<16xi32>], vector<16xi32>,
    %eq3A = arith.cmpi eq, %gather3A, %gather3A_20 : vector<16xi32>
    %select_n3A = arith.select %lt3A_9, %gather3A, %gather3A_20 : vector<16xi1>, vector<16xi32>
    %select_n3A_21 = arith.select %eq3A, %get3A_12, %get3A_10 : vector<16xi1>, vector<16xf32>
    %not3A = arith.constant dense<true> : vector<16xi1>
    %not3A_22 = arith.xori %eq3A, %not3A : vector<16xi1>
    %or3A = arith.ori %lt3A_9, %not3A_22 : vector<16xi1>
    tpu.vector_store_idx %arg9[%and3A_7, %select_n3A], %select_n3A_21 masked %or3A : memref<8x10000xf32, #tpu.memory_space<vmem>>[vector<16xi32>, vector<16xi32>], vector<16xf32>, vector<16xi1>
    %add3A_23 = arith.constant 0 : i32
    %add3A_24 = arith.addi %mul3A_2, %add3A_23 : i32
    "tpu.region"() ({
      %run_scoped3A = tpu.sem_alloc : memref<!tpu.dma_semaphore, #tpu.memory_space<semaphore_mem>>
      %dma_start3A = arith.constant 0 : i32
      %dma_start3A_265 = tpu.memref_slice %arg5[%add3A_24, %dma_start3A] : memref<4096x10000xf32, #tpu.memory_space<hbm>> -> memref<8x10000xf32, #tpu.memory_space<hbm>>
      %dma_start3A_266 = arith.constant 0 : i32
      %dma_start3A_267 = tpu.memref_slice %arg5[%add3A_24, %dma_start3A_266] : memref<4096x10000xf32, #tpu.memory_space<hbm>> -> memref<8x10000xf32, #tpu.memory_space<hbm>>
      tpu.enqueue_dma source(%arg9 : memref<8x10000xf32, #tpu.memory_space<vmem>>) target(%dma_start3A_267 : memref<8x10000xf32, #tpu.memory_space<hbm>>) target_semaphore(%run_scoped3A : memref<!tpu.dma_semaphore, #tpu.memory_space<semaphore_mem>>)
      %dma_wait3A = arith.constant 0 : i32
      %dma_wait3A_268 = tpu.memref_slice %arg5[%add3A_24, %dma_wait3A] : memref<4096x10000xf32, #tpu.memory_space<hbm>> -> memref<8x10000xf32, #tpu.memory_space<hbm>>
      %dma_wait3A_269 = arith.constant 0 : i32
      %dma_wait3A_270 = tpu.memref_slice %arg5[%add3A_24, %dma_wait3A_269] : memref<4096x10000xf32, #tpu.memory_space<hbm>> -> memref<8x10000xf32, #tpu.memory_space<hbm>>
      tpu.wait_dma2 semaphore(%run_scoped3A : memref<!tpu.dma_semaphore, #tpu.memory_space<semaphore_mem>>) src(%arg9 : memref<8x10000xf32, #tpu.memory_space<vmem>>) dst(%dma_wait3A_270 : memref<8x10000xf32, #tpu.memory_space<hbm>>)
      tpu.yield
    }) : () -> ()
    tpu.vector_store_idx %arg9[%and3A_7, %select_n3A], %broadcast_in_dim3A_13 masked %or3A : memref<8x10000xf32, #tpu.memory_space<vmem>>[vector<16xi32>, vector<16xi32>], vector<16xf32>, vector<16xi1>
    %add3A_25 = arith.constant 8 : i32
    %add3A_26 = vector.broadcast %add3A_25 : i32 to vector<16xi32>
    %add3A_27 = arith.addi %add3A_26, %and3A_7 : vector<16xi32>
    %gather3A_28 = tpu.vector_load_idx %arg6[%add3A_27] : memref<128xi32, #tpu.memory_space<vmem>>[vector<16xi32>], vector<16xi32>,
    %sub3A_29 = arith.constant 127 : i32
    %sub3A_30 = vector.broadcast %sub3A_29 : i32 to vector<16xi32>
    %sub3A_31 = arith.subi %sub3A_30, %add3A_27 : vector<16xi32>
    %gather3A_32 = tpu.vector_load_idx %arg7[%sub3A_31] : memref<128xi32, #tpu.memory_space<vmem>>[vector<16xi32>], vector<16xi32>,
    %eq3A_33 = arith.cmpi eq, %gather3A_28, %gather3A_32 : vector<16xi32>
    %select_n3A_34 = arith.select %lt3A_9, %gather3A_28, %gather3A_32 : vector<16xi1>, vector<16xi32>
    %select_n3A_35 = arith.select %eq3A_33, %get3A_12, %get3A_10 : vector<16xi1>, vector<16xf32>
    %not3A_36 = arith.constant dense<true> : vector<16xi1>
    %not3A_37 = arith.xori %eq3A_33, %not3A_36 : vector<16xi1>
    %or3A_38 = arith.ori %lt3A_9, %not3A_37 : vector<16xi1>
    tpu.vector_store_idx %arg9[%and3A_7, %select_n3A_34], %select_n3A_35 masked %or3A_38 : memref<8x10000xf32, #tpu.memory_space<vmem>>[vector<16xi32>, vector<16xi32>], vector<16xf32>, vector<16xi1>
    %add3A_39 = arith.constant 8 : i32
    %add3A_40 = arith.addi %mul3A_2, %add3A_39 : i32
    "tpu.region"() ({
      %run_scoped3A = tpu.sem_alloc : memref<!tpu.dma_semaphore, #tpu.memory_space<semaphore_mem>>
      %dma_start3A = arith.constant 0 : i32
      %dma_start3A_265 = tpu.memref_slice %arg5[%add3A_40, %dma_start3A] : memref<4096x10000xf32, #tpu.memory_space<hbm>> -> memref<8x10000xf32, #tpu.memory_space<hbm>>
      %dma_start3A_266 = arith.constant 0 : i32
      %dma_start3A_267 = tpu.memref_slice %arg5[%add3A_40, %dma_start3A_266] : memref<4096x10000xf32, #tpu.memory_space<hbm>> -> memref<8x10000xf32, #tpu.memory_space<hbm>>
      tpu.enqueue_dma source(%arg9 : memref<8x10000xf32, #tpu.memory_space<vmem>>) target(%dma_start3A_267 : memref<8x10000xf32, #tpu.memory_space<hbm>>) target_semaphore(%run_scoped3A : memref<!tpu.dma_semaphore, #tpu.memory_space<semaphore_mem>>)
      %dma_wait3A = arith.constant 0 : i32
      %dma_wait3A_268 = tpu.memref_slice %arg5[%add3A_40, %dma_wait3A] : memref<4096x10000xf32, #tpu.memory_space<hbm>> -> memref<8x10000xf32, #tpu.memory_space<hbm>>
      %dma_wait3A_269 = arith.constant 0 : i32
      %dma_wait3A_270 = tpu.memref_slice %arg5[%add3A_40, %dma_wait3A_269] : memref<4096x10000xf32, #tpu.memory_space<hbm>> -> memref<8x10000xf32, #tpu.memory_space<hbm>>
      tpu.wait_dma2 semaphore(%run_scoped3A : memref<!tpu.dma_semaphore, #tpu.memory_space<semaphore_mem>>) src(%arg9 : memref<8x10000xf32, #tpu.memory_space<vmem>>) dst(%dma_wait3A_270 : memref<8x10000xf32, #tpu.memory_space<hbm>>)
      tpu.yield
    }) : () -> ()
    tpu.vector_store_idx %arg9[%and3A_7, %select_n3A_34], %broadcast_in_dim3A_13 masked %or3A_38 : memref<8x10000xf32, #tpu.memory_space<vmem>>[vector<16xi32>, vector<16xi32>], vector<16xf32>, vector<16xi1>
    %add3A_41 = arith.constant 16 : i32
    %add3A_42 = vector.broadcast %add3A_41 : i32 to vector<16xi32>
    %add3A_43 = arith.addi %add3A_42, %and3A_7 : vector<16xi32>
    %gather3A_44 = tpu.vector_load_idx %arg6[%add3A_43] : memref<128xi32, #tpu.memory_space<vmem>>[vector<16xi32>], vector<16xi32>,
    %sub3A_45 = arith.constant 127 : i32
    %sub3A_46 = vector.broadcast %sub3A_45 : i32 to vector<16xi32>
    %sub3A_47 = arith.subi %sub3A_46, %add3A_43 : vector<16xi32>
    %gather3A_48 = tpu.vector_load_idx %arg7[%sub3A_47] : memref<128xi32, #tpu.memory_space<vmem>>[vector<16xi32>], vector<16xi32>,
    %eq3A_49 = arith.cmpi eq, %gather3A_44, %gather3A_48 : vector<16xi32>
    %select_n3A_50 = arith.select %lt3A_9, %gather3A_44, %gather3A_48 : vector<16xi1>, vector<16xi32>
    %select_n3A_51 = arith.select %eq3A_49, %get3A_12, %get3A_10 : vector<16xi1>, vector<16xf32>
    %not3A_52 = arith.constant dense<true> : vector<16xi1>
    %not3A_53 = arith.xori %eq3A_49, %not3A_52 : vector<16xi1>
    %or3A_54 = arith.ori %lt3A_9, %not3A_53 : vector<16xi1>
    tpu.vector_store_idx %arg9[%and3A_7, %select_n3A_50], %select_n3A_51 masked %or3A_54 : memref<8x10000xf32, #tpu.memory_space<vmem>>[vector<16xi32>, vector<16xi32>], vector<16xf32>, vector<16xi1>
    %add3A_55 = arith.constant 16 : i32
    %add3A_56 = arith.addi %mul3A_2, %add3A_55 : i32
    "tpu.region"() ({
      %run_scoped3A = tpu.sem_alloc : memref<!tpu.dma_semaphore, #tpu.memory_space<semaphore_mem>>
      %dma_start3A = arith.constant 0 : i32
      %dma_start3A_265 = tpu.memref_slice %arg5[%add3A_56, %dma_start3A] : memref<4096x10000xf32, #tpu.memory_space<hbm>> -> memref<8x10000xf32, #tpu.memory_space<hbm>>
      %dma_start3A_266 = arith.constant 0 : i32
      %dma_start3A_267 = tpu.memref_slice %arg5[%add3A_56, %dma_start3A_266] : memref<4096x10000xf32, #tpu.memory_space<hbm>> -> memref<8x10000xf32, #tpu.memory_space<hbm>>
      tpu.enqueue_dma source(%arg9 : memref<8x10000xf32, #tpu.memory_space<vmem>>) target(%dma_start3A_267 : memref<8x10000xf32, #tpu.memory_space<hbm>>) target_semaphore(%run_scoped3A : memref<!tpu.dma_semaphore, #tpu.memory_space<semaphore_mem>>)
      %dma_wait3A = arith.constant 0 : i32
      %dma_wait3A_268 = tpu.memref_slice %arg5[%add3A_56, %dma_wait3A] : memref<4096x10000xf32, #tpu.memory_space<hbm>> -> memref<8x10000xf32, #tpu.memory_space<hbm>>
      %dma_wait3A_269 = arith.constant 0 : i32
      %dma_wait3A_270 = tpu.memref_slice %arg5[%add3A_56, %dma_wait3A_269] : memref<4096x10000xf32, #tpu.memory_space<hbm>> -> memref<8x10000xf32, #tpu.memory_space<hbm>>
      tpu.wait_dma2 semaphore(%run_scoped3A : memref<!tpu.dma_semaphore, #tpu.memory_space<semaphore_mem>>) src(%arg9 : memref<8x10000xf32, #tpu.memory_space<vmem>>) dst(%dma_wait3A_270 : memref<8x10000xf32, #tpu.memory_space<hbm>>)
      tpu.yield
    }) : () -> ()
    tpu.vector_store_idx %arg9[%and3A_7, %select_n3A_50], %broadcast_in_dim3A_13 masked %or3A_54 : memref<8x10000xf32, #tpu.memory_space<vmem>>[vector<16xi32>, vector<16xi32>], vector<16xf32>, vector<16xi1>
    %add3A_57 = arith.constant 24 : i32
    %add3A_58 = vector.broadcast %add3A_57 : i32 to vector<16xi32>
    %add3A_59 = arith.addi %add3A_58, %and3A_7 : vector<16xi32>
    %gather3A_60 = tpu.vector_load_idx %arg6[%add3A_59] : memref<128xi32, #tpu.memory_space<vmem>>[vector<16xi32>], vector<16xi32>,
    %sub3A_61 = arith.constant 127 : i32
    %sub3A_62 = vector.broadcast %sub3A_61 : i32 to vector<16xi32>
    %sub3A_63 = arith.subi %sub3A_62, %add3A_59 : vector<16xi32>
    %gather3A_64 = tpu.vector_load_idx %arg7[%sub3A_63] : memref<128xi32, #tpu.memory_space<vmem>>[vector<16xi32>], vector<16xi32>,
    %eq3A_65 = arith.cmpi eq, %gather3A_60, %gather3A_64 : vector<16xi32>
    %select_n3A_66 = arith.select %lt3A_9, %gather3A_60, %gather3A_64 : vector<16xi1>, vector<16xi32>
    %select_n3A_67 = arith.select %eq3A_65, %get3A_12, %get3A_10 : vector<16xi1>, vector<16xf32>
    %not3A_68 = arith.constant dense<true> : vector<16xi1>
    %not3A_69 = arith.xori %eq3A_65, %not3A_68 : vector<16xi1>
    %or3A_70 = arith.ori %lt3A_9, %not3A_69 : vector<16xi1>
    tpu.vector_store_idx %arg9[%and3A_7, %select_n3A_66], %select_n3A_67 masked %or3A_70 : memref<8x10000xf32, #tpu.memory_space<vmem>>[vector<16xi32>, vector<16xi32>], vector<16xf32>, vector<16xi1>
    %add3A_71 = arith.constant 24 : i32
    %add3A_72 = arith.addi %mul3A_2, %add3A_71 : i32
    "tpu.region"() ({
      %run_scoped3A = tpu.sem_alloc : memref<!tpu.dma_semaphore, #tpu.memory_space<semaphore_mem>>
      %dma_start3A = arith.constant 0 : i32
      %dma_start3A_265 = tpu.memref_slice %arg5[%add3A_72, %dma_start3A] : memref<4096x10000xf32, #tpu.memory_space<hbm>> -> memref<8x10000xf32, #tpu.memory_space<hbm>>
      %dma_start3A_266 = arith.constant 0 : i32
      %dma_start3A_267 = tpu.memref_slice %arg5[%add3A_72, %dma_start3A_266] : memref<4096x10000xf32, #tpu.memory_space<hbm>> -> memref<8x10000xf32, #tpu.memory_space<hbm>>
      tpu.enqueue_dma source(%arg9 : memref<8x10000xf32, #tpu.memory_space<vmem>>) target(%dma_start3A_267 : memref<8x10000xf32, #tpu.memory_space<hbm>>) target_semaphore(%run_scoped3A : memref<!tpu.dma_semaphore, #tpu.memory_space<semaphore_mem>>)
      %dma_wait3A = arith.constant 0 : i32
      %dma_wait3A_268 = tpu.memref_slice %arg5[%add3A_72, %dma_wait3A] : memref<4096x10000xf32, #tpu.memory_space<hbm>> -> memref<8x10000xf32, #tpu.memory_space<hbm>>
      %dma_wait3A_269 = arith.constant 0 : i32
      %dma_wait3A_270 = tpu.memref_slice %arg5[%add3A_72, %dma_wait3A_269] : memref<4096x10000xf32, #tpu.memory_space<hbm>> -> memref<8x10000xf32, #tpu.memory_space<hbm>>
      tpu.wait_dma2 semaphore(%run_scoped3A : memref<!tpu.dma_semaphore, #tpu.memory_space<semaphore_mem>>) src(%arg9 : memref<8x10000xf32, #tpu.memory_space<vmem>>) dst(%dma_wait3A_270 : memref<8x10000xf32, #tpu.memory_space<hbm>>)
      tpu.yield
    }) : () -> ()
    tpu.vector_store_idx %arg9[%and3A_7, %select_n3A_66], %broadcast_in_dim3A_13 masked %or3A_70 : memref<8x10000xf32, #tpu.memory_space<vmem>>[vector<16xi32>, vector<16xi32>], vector<16xf32>, vector<16xi1>
    %add3A_73 = arith.constant 32 : i32
    %add3A_74 = vector.broadcast %add3A_73 : i32 to vector<16xi32>
    %add3A_75 = arith.addi %add3A_74, %and3A_7 : vector<16xi32>
    %gather3A_76 = tpu.vector_load_idx %arg6[%add3A_75] : memref<128xi32, #tpu.memory_space<vmem>>[vector<16xi32>], vector<16xi32>,
    %sub3A_77 = arith.constant 127 : i32
    %sub3A_78 = vector.broadcast %sub3A_77 : i32 to vector<16xi32>
    %sub3A_79 = arith.subi %sub3A_78, %add3A_75 : vector<16xi32>
    %gather3A_80 = tpu.vector_load_idx %arg7[%sub3A_79] : memref<128xi32, #tpu.memory_space<vmem>>[vector<16xi32>], vector<16xi32>,
    %eq3A_81 = arith.cmpi eq, %gather3A_76, %gather3A_80 : vector<16xi32>
    %select_n3A_82 = arith.select %lt3A_9, %gather3A_76, %gather3A_80 : vector<16xi1>, vector<16xi32>
    %select_n3A_83 = arith.select %eq3A_81, %get3A_12, %get3A_10 : vector<16xi1>, vector<16xf32>
    %not3A_84 = arith.constant dense<true> : vector<16xi1>
    %not3A_85 = arith.xori %eq3A_81, %not3A_84 : vector<16xi1>
    %or3A_86 = arith.ori %lt3A_9, %not3A_85 : vector<16xi1>
    tpu.vector_store_idx %arg9[%and3A_7, %select_n3A_82], %select_n3A_83 masked %or3A_86 : memref<8x10000xf32, #tpu.memory_space<vmem>>[vector<16xi32>, vector<16xi32>], vector<16xf32>, vector<16xi1>
    %add3A_87 = arith.constant 32 : i32
    %add3A_88 = arith.addi %mul3A_2, %add3A_87 : i32
    "tpu.region"() ({
      %run_scoped3A = tpu.sem_alloc : memref<!tpu.dma_semaphore, #tpu.memory_space<semaphore_mem>>
      %dma_start3A = arith.constant 0 : i32
      %dma_start3A_265 = tpu.memref_slice %arg5[%add3A_88, %dma_start3A] : memref<4096x10000xf32, #tpu.memory_space<hbm>> -> memref<8x10000xf32, #tpu.memory_space<hbm>>
      %dma_start3A_266 = arith.constant 0 : i32
      %dma_start3A_267 = tpu.memref_slice %arg5[%add3A_88, %dma_start3A_266] : memref<4096x10000xf32, #tpu.memory_space<hbm>> -> memref<8x10000xf32, #tpu.memory_space<hbm>>
      tpu.enqueue_dma source(%arg9 : memref<8x10000xf32, #tpu.memory_space<vmem>>) target(%dma_start3A_267 : memref<8x10000xf32, #tpu.memory_space<hbm>>) target_semaphore(%run_scoped3A : memref<!tpu.dma_semaphore, #tpu.memory_space<semaphore_mem>>)
      %dma_wait3A = arith.constant 0 : i32
      %dma_wait3A_268 = tpu.memref_slice %arg5[%add3A_88, %dma_wait3A] : memref<4096x10000xf32, #tpu.memory_space<hbm>> -> memref<8x10000xf32, #tpu.memory_space<hbm>>
      %dma_wait3A_269 = arith.constant 0 : i32
      %dma_wait3A_270 = tpu.memref_slice %arg5[%add3A_88, %dma_wait3A_269] : memref<4096x10000xf32, #tpu.memory_space<hbm>> -> memref<8x10000xf32, #tpu.memory_space<hbm>>
      tpu.wait_dma2 semaphore(%run_scoped3A : memref<!tpu.dma_semaphore, #tpu.memory_space<semaphore_mem>>) src(%arg9 : memref<8x10000xf32, #tpu.memory_space<vmem>>) dst(%dma_wait3A_270 : memref<8x10000xf32, #tpu.memory_space<hbm>>)
      tpu.yield
    }) : () -> ()
    tpu.vector_store_idx %arg9[%and3A_7, %select_n3A_82], %broadcast_in_dim3A_13 masked %or3A_86 : memref<8x10000xf32, #tpu.memory_space<vmem>>[vector<16xi32>, vector<16xi32>], vector<16xf32>, vector<16xi1>
    %add3A_89 = arith.constant 40 : i32
    %add3A_90 = vector.broadcast %add3A_89 : i32 to vector<16xi32>
    %add3A_91 = arith.addi %add3A_90, %and3A_7 : vector<16xi32>
    %gather3A_92 = tpu.vector_load_idx %arg6[%add3A_91] : memref<128xi32, #tpu.memory_space<vmem>>[vector<16xi32>], vector<16xi32>,
    %sub3A_93 = arith.constant 127 : i32
    %sub3A_94 = vector.broadcast %sub3A_93 : i32 to vector<16xi32>
    %sub3A_95 = arith.subi %sub3A_94, %add3A_91 : vector<16xi32>
    %gather3A_96 = tpu.vector_load_idx %arg7[%sub3A_95] : memref<128xi32, #tpu.memory_space<vmem>>[vector<16xi32>], vector<16xi32>,
    %eq3A_97 = arith.cmpi eq, %gather3A_92, %gather3A_96 : vector<16xi32>
    %select_n3A_98 = arith.select %lt3A_9, %gather3A_92, %gather3A_96 : vector<16xi1>, vector<16xi32>
    %select_n3A_99 = arith.select %eq3A_97, %get3A_12, %get3A_10 : vector<16xi1>, vector<16xf32>
    %not3A_100 = arith.constant dense<true> : vector<16xi1>
    %not3A_101 = arith.xori %eq3A_97, %not3A_100 : vector<16xi1>
    %or3A_102 = arith.ori %lt3A_9, %not3A_101 : vector<16xi1>
    tpu.vector_store_idx %arg9[%and3A_7, %select_n3A_98], %select_n3A_99 masked %or3A_102 : memref<8x10000xf32, #tpu.memory_space<vmem>>[vector<16xi32>, vector<16xi32>], vector<16xf32>, vector<16xi1>
    %add3A_103 = arith.constant 40 : i32
    %add3A_104 = arith.addi %mul3A_2, %add3A_103 : i32
    "tpu.region"() ({
      %run_scoped3A = tpu.sem_alloc : memref<!tpu.dma_semaphore, #tpu.memory_space<semaphore_mem>>
      %dma_start3A = arith.constant 0 : i32
      %dma_start3A_265 = tpu.memref_slice %arg5[%add3A_104, %dma_start3A] : memref<4096x10000xf32, #tpu.memory_space<hbm>> -> memref<8x10000xf32, #tpu.memory_space<hbm>>
      %dma_start3A_266 = arith.constant 0 : i32
      %dma_start3A_267 = tpu.memref_slice %arg5[%add3A_104, %dma_start3A_266] : memref<4096x10000xf32, #tpu.memory_space<hbm>> -> memref<8x10000xf32, #tpu.memory_space<hbm>>
      tpu.enqueue_dma source(%arg9 : memref<8x10000xf32, #tpu.memory_space<vmem>>) target(%dma_start3A_267 : memref<8x10000xf32, #tpu.memory_space<hbm>>) target_semaphore(%run_scoped3A : memref<!tpu.dma_semaphore, #tpu.memory_space<semaphore_mem>>)
      %dma_wait3A = arith.constant 0 : i32
      %dma_wait3A_268 = tpu.memref_slice %arg5[%add3A_104, %dma_wait3A] : memref<4096x10000xf32, #tpu.memory_space<hbm>> -> memref<8x10000xf32, #tpu.memory_space<hbm>>
      %dma_wait3A_269 = arith.constant 0 : i32
      %dma_wait3A_270 = tpu.memref_slice %arg5[%add3A_104, %dma_wait3A_269] : memref<4096x10000xf32, #tpu.memory_space<hbm>> -> memref<8x10000xf32, #tpu.memory_space<hbm>>
      tpu.wait_dma2 semaphore(%run_scoped3A : memref<!tpu.dma_semaphore, #tpu.memory_space<semaphore_mem>>) src(%arg9 : memref<8x10000xf32, #tpu.memory_space<vmem>>) dst(%dma_wait3A_270 : memref<8x10000xf32, #tpu.memory_space<hbm>>)
      tpu.yield
    }) : () -> ()
    tpu.vector_store_idx %arg9[%and3A_7, %select_n3A_98], %broadcast_in_dim3A_13 masked %or3A_102 : memref<8x10000xf32, #tpu.memory_space<vmem>>[vector<16xi32>, vector<16xi32>], vector<16xf32>, vector<16xi1>
    %add3A_105 = arith.constant 48 : i32
    %add3A_106 = vector.broadcast %add3A_105 : i32 to vector<16xi32>
    %add3A_107 = arith.addi %add3A_106, %and3A_7 : vector<16xi32>
    %gather3A_108 = tpu.vector_load_idx %arg6[%add3A_107] : memref<128xi32, #tpu.memory_space<vmem>>[vector<16xi32>], vector<16xi32>,
    %sub3A_109 = arith.constant 127 : i32
    %sub3A_110 = vector.broadcast %sub3A_109 : i32 to vector<16xi32>
    %sub3A_111 = arith.subi %sub3A_110, %add3A_107 : vector<16xi32>
    %gather3A_112 = tpu.vector_load_idx %arg7[%sub3A_111] : memref<128xi32, #tpu.memory_space<vmem>>[vector<16xi32>], vector<16xi32>,
    %eq3A_113 = arith.cmpi eq, %gather3A_108, %gather3A_112 : vector<16xi32>
    %select_n3A_114 = arith.select %lt3A_9, %gather3A_108, %gather3A_112 : vector<16xi1>, vector<16xi32>
    %select_n3A_115 = arith.select %eq3A_113, %get3A_12, %get3A_10 : vector<16xi1>, vector<16xf32>
    %not3A_116 = arith.constant dense<true> : vector<16xi1>
    %not3A_117 = arith.xori %eq3A_113, %not3A_116 : vector<16xi1>
    %or3A_118 = arith.ori %lt3A_9, %not3A_117 : vector<16xi1>
    tpu.vector_store_idx %arg9[%and3A_7, %select_n3A_114], %select_n3A_115 masked %or3A_118 : memref<8x10000xf32, #tpu.memory_space<vmem>>[vector<16xi32>, vector<16xi32>], vector<16xf32>, vector<16xi1>
    %add3A_119 = arith.constant 48 : i32
    %add3A_120 = arith.addi %mul3A_2, %add3A_119 : i32
    "tpu.region"() ({
      %run_scoped3A = tpu.sem_alloc : memref<!tpu.dma_semaphore, #tpu.memory_space<semaphore_mem>>
      %dma_start3A = arith.constant 0 : i32
      %dma_start3A_265 = tpu.memref_slice %arg5[%add3A_120, %dma_start3A] : memref<4096x10000xf32, #tpu.memory_space<hbm>> -> memref<8x10000xf32, #tpu.memory_space<hbm>>
      %dma_start3A_266 = arith.constant 0 : i32
      %dma_start3A_267 = tpu.memref_slice %arg5[%add3A_120, %dma_start3A_266] : memref<4096x10000xf32, #tpu.memory_space<hbm>> -> memref<8x10000xf32, #tpu.memory_space<hbm>>
      tpu.enqueue_dma source(%arg9 : memref<8x10000xf32, #tpu.memory_space<vmem>>) target(%dma_start3A_267 : memref<8x10000xf32, #tpu.memory_space<hbm>>) target_semaphore(%run_scoped3A : memref<!tpu.dma_semaphore, #tpu.memory_space<semaphore_mem>>)
      %dma_wait3A = arith.constant 0 : i32
      %dma_wait3A_268 = tpu.memref_slice %arg5[%add3A_120, %dma_wait3A] : memref<4096x10000xf32, #tpu.memory_space<hbm>> -> memref<8x10000xf32, #tpu.memory_space<hbm>>
      %dma_wait3A_269 = arith.constant 0 : i32
      %dma_wait3A_270 = tpu.memref_slice %arg5[%add3A_120, %dma_wait3A_269] : memref<4096x10000xf32, #tpu.memory_space<hbm>> -> memref<8x10000xf32, #tpu.memory_space<hbm>>
      tpu.wait_dma2 semaphore(%run_scoped3A : memref<!tpu.dma_semaphore, #tpu.memory_space<semaphore_mem>>) src(%arg9 : memref<8x10000xf32, #tpu.memory_space<vmem>>) dst(%dma_wait3A_270 : memref<8x10000xf32, #tpu.memory_space<hbm>>)
      tpu.yield
    }) : () -> ()
    tpu.vector_store_idx %arg9[%and3A_7, %select_n3A_114], %broadcast_in_dim3A_13 masked %or3A_118 : memref<8x10000xf32, #tpu.memory_space<vmem>>[vector<16xi32>, vector<16xi32>], vector<16xf32>, vector<16xi1>
    %add3A_121 = arith.constant 56 : i32
    %add3A_122 = vector.broadcast %add3A_121 : i32 to vector<16xi32>
    %add3A_123 = arith.addi %add3A_122, %and3A_7 : vector<16xi32>
    %gather3A_124 = tpu.vector_load_idx %arg6[%add3A_123] : memref<128xi32, #tpu.memory_space<vmem>>[vector<16xi32>], vector<16xi32>,
    %sub3A_125 = arith.constant 127 : i32
    %sub3A_126 = vector.broadcast %sub3A_125 : i32 to vector<16xi32>
    %sub3A_127 = arith.subi %sub3A_126, %add3A_123 : vector<16xi32>
    %gather3A_128 = tpu.vector_load_idx %arg7[%sub3A_127] : memref<128xi32, #tpu.memory_space<vmem>>[vector<16xi32>], vector<16xi32>,
    %eq3A_129 = arith.cmpi eq, %gather3A_124, %gather3A_128 : vector<16xi32>
    %select_n3A_130 = arith.select %lt3A_9, %gather3A_124, %gather3A_128 : vector<16xi1>, vector<16xi32>
    %select_n3A_131 = arith.select %eq3A_129, %get3A_12, %get3A_10 : vector<16xi1>, vector<16xf32>
    %not3A_132 = arith.constant dense<true> : vector<16xi1>
    %not3A_133 = arith.xori %eq3A_129, %not3A_132 : vector<16xi1>
    %or3A_134 = arith.ori %lt3A_9, %not3A_133 : vector<16xi1>
    tpu.vector_store_idx %arg9[%and3A_7, %select_n3A_130], %select_n3A_131 masked %or3A_134 : memref<8x10000xf32, #tpu.memory_space<vmem>>[vector<16xi32>, vector<16xi32>], vector<16xf32>, vector<16xi1>
    %add3A_135 = arith.constant 56 : i32
    %add3A_136 = arith.addi %mul3A_2, %add3A_135 : i32
    "tpu.region"() ({
      %run_scoped3A = tpu.sem_alloc : memref<!tpu.dma_semaphore, #tpu.memory_space<semaphore_mem>>
      %dma_start3A = arith.constant 0 : i32
      %dma_start3A_265 = tpu.memref_slice %arg5[%add3A_136, %dma_start3A] : memref<4096x10000xf32, #tpu.memory_space<hbm>> -> memref<8x10000xf32, #tpu.memory_space<hbm>>
      %dma_start3A_266 = arith.constant 0 : i32
      %dma_start3A_267 = tpu.memref_slice %arg5[%add3A_136, %dma_start3A_266] : memref<4096x10000xf32, #tpu.memory_space<hbm>> -> memref<8x10000xf32, #tpu.memory_space<hbm>>
      tpu.enqueue_dma source(%arg9 : memref<8x10000xf32, #tpu.memory_space<vmem>>) target(%dma_start3A_267 : memref<8x10000xf32, #tpu.memory_space<hbm>>) target_semaphore(%run_scoped3A : memref<!tpu.dma_semaphore, #tpu.memory_space<semaphore_mem>>)
      %dma_wait3A = arith.constant 0 : i32
      %dma_wait3A_268 = tpu.memref_slice %arg5[%add3A_136, %dma_wait3A] : memref<4096x10000xf32, #tpu.memory_space<hbm>> -> memref<8x10000xf32, #tpu.memory_space<hbm>>
      %dma_wait3A_269 = arith.constant 0 : i32
      %dma_wait3A_270 = tpu.memref_slice %arg5[%add3A_136, %dma_wait3A_269] : memref<4096x10000xf32, #tpu.memory_space<hbm>> -> memref<8x10000xf32, #tpu.memory_space<hbm>>
      tpu.wait_dma2 semaphore(%run_scoped3A : memref<!tpu.dma_semaphore, #tpu.memory_space<semaphore_mem>>) src(%arg9 : memref<8x10000xf32, #tpu.memory_space<vmem>>) dst(%dma_wait3A_270 : memref<8x10000xf32, #tpu.memory_space<hbm>>)
      tpu.yield
    }) : () -> ()
    tpu.vector_store_idx %arg9[%and3A_7, %select_n3A_130], %broadcast_in_dim3A_13 masked %or3A_134 : memref<8x10000xf32, #tpu.memory_space<vmem>>[vector<16xi32>, vector<16xi32>], vector<16xf32>, vector<16xi1>
    %add3A_137 = arith.constant 64 : i32
    %add3A_138 = vector.broadcast %add3A_137 : i32 to vector<16xi32>
    %add3A_139 = arith.addi %add3A_138, %and3A_7 : vector<16xi32>
    %gather3A_140 = tpu.vector_load_idx %arg6[%add3A_139] : memref<128xi32, #tpu.memory_space<vmem>>[vector<16xi32>], vector<16xi32>,
    %sub3A_141 = arith.constant 127 : i32
    %sub3A_142 = vector.broadcast %sub3A_141 : i32 to vector<16xi32>
    %sub3A_143 = arith.subi %sub3A_142, %add3A_139 : vector<16xi32>
    %gather3A_144 = tpu.vector_load_idx %arg7[%sub3A_143] : memref<128xi32, #tpu.memory_space<vmem>>[vector<16xi32>], vector<16xi32>,
    %eq3A_145 = arith.cmpi eq, %gather3A_140, %gather3A_144 : vector<16xi32>
    %select_n3A_146 = arith.select %lt3A_9, %gather3A_140, %gather3A_144 : vector<16xi1>, vector<16xi32>
    %select_n3A_147 = arith.select %eq3A_145, %get3A_12, %get3A_10 : vector<16xi1>, vector<16xf32>
    %not3A_148 = arith.constant dense<true> : vector<16xi1>
    %not3A_149 = arith.xori %eq3A_145, %not3A_148 : vector<16xi1>
    %or3A_150 = arith.ori %lt3A_9, %not3A_149 : vector<16xi1>
    tpu.vector_store_idx %arg9[%and3A_7, %select_n3A_146], %select_n3A_147 masked %or3A_150 : memref<8x10000xf32, #tpu.memory_space<vmem>>[vector<16xi32>, vector<16xi32>], vector<16xf32>, vector<16xi1>
    %add3A_151 = arith.constant 64 : i32
    %add3A_152 = arith.addi %mul3A_2, %add3A_151 : i32
    "tpu.region"() ({
      %run_scoped3A = tpu.sem_alloc : memref<!tpu.dma_semaphore, #tpu.memory_space<semaphore_mem>>
      %dma_start3A = arith.constant 0 : i32
      %dma_start3A_265 = tpu.memref_slice %arg5[%add3A_152, %dma_start3A] : memref<4096x10000xf32, #tpu.memory_space<hbm>> -> memref<8x10000xf32, #tpu.memory_space<hbm>>
      %dma_start3A_266 = arith.constant 0 : i32
      %dma_start3A_267 = tpu.memref_slice %arg5[%add3A_152, %dma_start3A_266] : memref<4096x10000xf32, #tpu.memory_space<hbm>> -> memref<8x10000xf32, #tpu.memory_space<hbm>>
      tpu.enqueue_dma source(%arg9 : memref<8x10000xf32, #tpu.memory_space<vmem>>) target(%dma_start3A_267 : memref<8x10000xf32, #tpu.memory_space<hbm>>) target_semaphore(%run_scoped3A : memref<!tpu.dma_semaphore, #tpu.memory_space<semaphore_mem>>)
      %dma_wait3A = arith.constant 0 : i32
      %dma_wait3A_268 = tpu.memref_slice %arg5[%add3A_152, %dma_wait3A] : memref<4096x10000xf32, #tpu.memory_space<hbm>> -> memref<8x10000xf32, #tpu.memory_space<hbm>>
      %dma_wait3A_269 = arith.constant 0 : i32
      %dma_wait3A_270 = tpu.memref_slice %arg5[%add3A_152, %dma_wait3A_269] : memref<4096x10000xf32, #tpu.memory_space<hbm>> -> memref<8x10000xf32, #tpu.memory_space<hbm>>
      tpu.wait_dma2 semaphore(%run_scoped3A : memref<!tpu.dma_semaphore, #tpu.memory_space<semaphore_mem>>) src(%arg9 : memref<8x10000xf32, #tpu.memory_space<vmem>>) dst(%dma_wait3A_270 : memref<8x10000xf32, #tpu.memory_space<hbm>>)
      tpu.yield
    }) : () -> ()
    tpu.vector_store_idx %arg9[%and3A_7, %select_n3A_146], %broadcast_in_dim3A_13 masked %or3A_150 : memref<8x10000xf32, #tpu.memory_space<vmem>>[vector<16xi32>, vector<16xi32>], vector<16xf32>, vector<16xi1>
    %add3A_153 = arith.constant 72 : i32
    %add3A_154 = vector.broadcast %add3A_153 : i32 to vector<16xi32>
    %add3A_155 = arith.addi %add3A_154, %and3A_7 : vector<16xi32>
    %gather3A_156 = tpu.vector_load_idx %arg6[%add3A_155] : memref<128xi32, #tpu.memory_space<vmem>>[vector<16xi32>], vector<16xi32>,
    %sub3A_157 = arith.constant 127 : i32
    %sub3A_158 = vector.broadcast %sub3A_157 : i32 to vector<16xi32>
    %sub3A_159 = arith.subi %sub3A_158, %add3A_155 : vector<16xi32>
    %gather3A_160 = tpu.vector_load_idx %arg7[%sub3A_159] : memref<128xi32, #tpu.memory_space<vmem>>[vector<16xi32>], vector<16xi32>,
    %eq3A_161 = arith.cmpi eq, %gather3A_156, %gather3A_160 : vector<16xi32>
    %select_n3A_162 = arith.select %lt3A_9, %gather3A_156, %gather3A_160 : vector<16xi1>, vector<16xi32>
    %select_n3A_163 = arith.select %eq3A_161, %get3A_12, %get3A_10 : vector<16xi1>, vector<16xf32>
    %not3A_164 = arith.constant dense<true> : vector<16xi1>
    %not3A_165 = arith.xori %eq3A_161, %not3A_164 : vector<16xi1>
    %or3A_166 = arith.ori %lt3A_9, %not3A_165 : vector<16xi1>
    tpu.vector_store_idx %arg9[%and3A_7, %select_n3A_162], %select_n3A_163 masked %or3A_166 : memref<8x10000xf32, #tpu.memory_space<vmem>>[vector<16xi32>, vector<16xi32>], vector<16xf32>, vector<16xi1>
    %add3A_167 = arith.constant 72 : i32
    %add3A_168 = arith.addi %mul3A_2, %add3A_167 : i32
    "tpu.region"() ({
      %run_scoped3A = tpu.sem_alloc : memref<!tpu.dma_semaphore, #tpu.memory_space<semaphore_mem>>
      %dma_start3A = arith.constant 0 : i32
      %dma_start3A_265 = tpu.memref_slice %arg5[%add3A_168, %dma_start3A] : memref<4096x10000xf32, #tpu.memory_space<hbm>> -> memref<8x10000xf32, #tpu.memory_space<hbm>>
      %dma_start3A_266 = arith.constant 0 : i32
      %dma_start3A_267 = tpu.memref_slice %arg5[%add3A_168, %dma_start3A_266] : memref<4096x10000xf32, #tpu.memory_space<hbm>> -> memref<8x10000xf32, #tpu.memory_space<hbm>>
      tpu.enqueue_dma source(%arg9 : memref<8x10000xf32, #tpu.memory_space<vmem>>) target(%dma_start3A_267 : memref<8x10000xf32, #tpu.memory_space<hbm>>) target_semaphore(%run_scoped3A : memref<!tpu.dma_semaphore, #tpu.memory_space<semaphore_mem>>)
      %dma_wait3A = arith.constant 0 : i32
      %dma_wait3A_268 = tpu.memref_slice %arg5[%add3A_168, %dma_wait3A] : memref<4096x10000xf32, #tpu.memory_space<hbm>> -> memref<8x10000xf32, #tpu.memory_space<hbm>>
      %dma_wait3A_269 = arith.constant 0 : i32
      %dma_wait3A_270 = tpu.memref_slice %arg5[%add3A_168, %dma_wait3A_269] : memref<4096x10000xf32, #tpu.memory_space<hbm>> -> memref<8x10000xf32, #tpu.memory_space<hbm>>
      tpu.wait_dma2 semaphore(%run_scoped3A : memref<!tpu.dma_semaphore, #tpu.memory_space<semaphore_mem>>) src(%arg9 : memref<8x10000xf32, #tpu.memory_space<vmem>>) dst(%dma_wait3A_270 : memref<8x10000xf32, #tpu.memory_space<hbm>>)
      tpu.yield
    }) : () -> ()
    tpu.vector_store_idx %arg9[%and3A_7, %select_n3A_162], %broadcast_in_dim3A_13 masked %or3A_166 : memref<8x10000xf32, #tpu.memory_space<vmem>>[vector<16xi32>, vector<16xi32>], vector<16xf32>, vector<16xi1>
    %add3A_169 = arith.constant 80 : i32
    %add3A_170 = vector.broadcast %add3A_169 : i32 to vector<16xi32>
    %add3A_171 = arith.addi %add3A_170, %and3A_7 : vector<16xi32>
    %gather3A_172 = tpu.vector_load_idx %arg6[%add3A_171] : memref<128xi32, #tpu.memory_space<vmem>>[vector<16xi32>], vector<16xi32>,
    %sub3A_173 = arith.constant 127 : i32
    %sub3A_174 = vector.broadcast %sub3A_173 : i32 to vector<16xi32>
    %sub3A_175 = arith.subi %sub3A_174, %add3A_171 : vector<16xi32>
    %gather3A_176 = tpu.vector_load_idx %arg7[%sub3A_175] : memref<128xi32, #tpu.memory_space<vmem>>[vector<16xi32>], vector<16xi32>,
    %eq3A_177 = arith.cmpi eq, %gather3A_172, %gather3A_176 : vector<16xi32>
    %select_n3A_178 = arith.select %lt3A_9, %gather3A_172, %gather3A_176 : vector<16xi1>, vector<16xi32>
    %select_n3A_179 = arith.select %eq3A_177, %get3A_12, %get3A_10 : vector<16xi1>, vector<16xf32>
    %not3A_180 = arith.constant dense<true> : vector<16xi1>
    %not3A_181 = arith.xori %eq3A_177, %not3A_180 : vector<16xi1>
    %or3A_182 = arith.ori %lt3A_9, %not3A_181 : vector<16xi1>
    tpu.vector_store_idx %arg9[%and3A_7, %select_n3A_178], %select_n3A_179 masked %or3A_182 : memref<8x10000xf32, #tpu.memory_space<vmem>>[vector<16xi32>, vector<16xi32>], vector<16xf32>, vector<16xi1>
    %add3A_183 = arith.constant 80 : i32
    %add3A_184 = arith.addi %mul3A_2, %add3A_183 : i32
    "tpu.region"() ({
      %run_scoped3A = tpu.sem_alloc : memref<!tpu.dma_semaphore, #tpu.memory_space<semaphore_mem>>
      %dma_start3A = arith.constant 0 : i32
      %dma_start3A_265 = tpu.memref_slice %arg5[%add3A_184, %dma_start3A] : memref<4096x10000xf32, #tpu.memory_space<hbm>> -> memref<8x10000xf32, #tpu.memory_space<hbm>>
      %dma_start3A_266 = arith.constant 0 : i32
      %dma_start3A_267 = tpu.memref_slice %arg5[%add3A_184, %dma_start3A_266] : memref<4096x10000xf32, #tpu.memory_space<hbm>> -> memref<8x10000xf32, #tpu.memory_space<hbm>>
      tpu.enqueue_dma source(%arg9 : memref<8x10000xf32, #tpu.memory_space<vmem>>) target(%dma_start3A_267 : memref<8x10000xf32, #tpu.memory_space<hbm>>) target_semaphore(%run_scoped3A : memref<!tpu.dma_semaphore, #tpu.memory_space<semaphore_mem>>)
      %dma_wait3A = arith.constant 0 : i32
      %dma_wait3A_268 = tpu.memref_slice %arg5[%add3A_184, %dma_wait3A] : memref<4096x10000xf32, #tpu.memory_space<hbm>> -> memref<8x10000xf32, #tpu.memory_space<hbm>>
      %dma_wait3A_269 = arith.constant 0 : i32
      %dma_wait3A_270 = tpu.memref_slice %arg5[%add3A_184, %dma_wait3A_269] : memref<4096x10000xf32, #tpu.memory_space<hbm>> -> memref<8x10000xf32, #tpu.memory_space<hbm>>
      tpu.wait_dma2 semaphore(%run_scoped3A : memref<!tpu.dma_semaphore, #tpu.memory_space<semaphore_mem>>) src(%arg9 : memref<8x10000xf32, #tpu.memory_space<vmem>>) dst(%dma_wait3A_270 : memref<8x10000xf32, #tpu.memory_space<hbm>>)
      tpu.yield
    }) : () -> ()
    tpu.vector_store_idx %arg9[%and3A_7, %select_n3A_178], %broadcast_in_dim3A_13 masked %or3A_182 : memref<8x10000xf32, #tpu.memory_space<vmem>>[vector<16xi32>, vector<16xi32>], vector<16xf32>, vector<16xi1>
    %add3A_185 = arith.constant 88 : i32
    %add3A_186 = vector.broadcast %add3A_185 : i32 to vector<16xi32>
    %add3A_187 = arith.addi %add3A_186, %and3A_7 : vector<16xi32>
    %gather3A_188 = tpu.vector_load_idx %arg6[%add3A_187] : memref<128xi32, #tpu.memory_space<vmem>>[vector<16xi32>], vector<16xi32>,
    %sub3A_189 = arith.constant 127 : i32
    %sub3A_190 = vector.broadcast %sub3A_189 : i32 to vector<16xi32>
    %sub3A_191 = arith.subi %sub3A_190, %add3A_187 : vector<16xi32>
    %gather3A_192 = tpu.vector_load_idx %arg7[%sub3A_191] : memref<128xi32, #tpu.memory_space<vmem>>[vector<16xi32>], vector<16xi32>,
    %eq3A_193 = arith.cmpi eq, %gather3A_188, %gather3A_192 : vector<16xi32>
    %select_n3A_194 = arith.select %lt3A_9, %gather3A_188, %gather3A_192 : vector<16xi1>, vector<16xi32>
    %select_n3A_195 = arith.select %eq3A_193, %get3A_12, %get3A_10 : vector<16xi1>, vector<16xf32>
    %not3A_196 = arith.constant dense<true> : vector<16xi1>
    %not3A_197 = arith.xori %eq3A_193, %not3A_196 : vector<16xi1>
    %or3A_198 = arith.ori %lt3A_9, %not3A_197 : vector<16xi1>
    tpu.vector_store_idx %arg9[%and3A_7, %select_n3A_194], %select_n3A_195 masked %or3A_198 : memref<8x10000xf32, #tpu.memory_space<vmem>>[vector<16xi32>, vector<16xi32>], vector<16xf32>, vector<16xi1>
    %add3A_199 = arith.constant 88 : i32
    %add3A_200 = arith.addi %mul3A_2, %add3A_199 : i32
    "tpu.region"() ({
      %run_scoped3A = tpu.sem_alloc : memref<!tpu.dma_semaphore, #tpu.memory_space<semaphore_mem>>
      %dma_start3A = arith.constant 0 : i32
      %dma_start3A_265 = tpu.memref_slice %arg5[%add3A_200, %dma_start3A] : memref<4096x10000xf32, #tpu.memory_space<hbm>> -> memref<8x10000xf32, #tpu.memory_space<hbm>>
      %dma_start3A_266 = arith.constant 0 : i32
      %dma_start3A_267 = tpu.memref_slice %arg5[%add3A_200, %dma_start3A_266] : memref<4096x10000xf32, #tpu.memory_space<hbm>> -> memref<8x10000xf32, #tpu.memory_space<hbm>>
      tpu.enqueue_dma source(%arg9 : memref<8x10000xf32, #tpu.memory_space<vmem>>) target(%dma_start3A_267 : memref<8x10000xf32, #tpu.memory_space<hbm>>) target_semaphore(%run_scoped3A : memref<!tpu.dma_semaphore, #tpu.memory_space<semaphore_mem>>)
      %dma_wait3A = arith.constant 0 : i32
      %dma_wait3A_268 = tpu.memref_slice %arg5[%add3A_200, %dma_wait3A] : memref<4096x10000xf32, #tpu.memory_space<hbm>> -> memref<8x10000xf32, #tpu.memory_space<hbm>>
      %dma_wait3A_269 = arith.constant 0 : i32
      %dma_wait3A_270 = tpu.memref_slice %arg5[%add3A_200, %dma_wait3A_269] : memref<4096x10000xf32, #tpu.memory_space<hbm>> -> memref<8x10000xf32, #tpu.memory_space<hbm>>
      tpu.wait_dma2 semaphore(%run_scoped3A : memref<!tpu.dma_semaphore, #tpu.memory_space<semaphore_mem>>) src(%arg9 : memref<8x10000xf32, #tpu.memory_space<vmem>>) dst(%dma_wait3A_270 : memref<8x10000xf32, #tpu.memory_space<hbm>>)
      tpu.yield
    }) : () -> ()
    tpu.vector_store_idx %arg9[%and3A_7, %select_n3A_194], %broadcast_in_dim3A_13 masked %or3A_198 : memref<8x10000xf32, #tpu.memory_space<vmem>>[vector<16xi32>, vector<16xi32>], vector<16xf32>, vector<16xi1>
    %add3A_201 = arith.constant 96 : i32
    %add3A_202 = vector.broadcast %add3A_201 : i32 to vector<16xi32>
    %add3A_203 = arith.addi %add3A_202, %and3A_7 : vector<16xi32>
    %gather3A_204 = tpu.vector_load_idx %arg6[%add3A_203] : memref<128xi32, #tpu.memory_space<vmem>>[vector<16xi32>], vector<16xi32>,
    %sub3A_205 = arith.constant 127 : i32
    %sub3A_206 = vector.broadcast %sub3A_205 : i32 to vector<16xi32>
    %sub3A_207 = arith.subi %sub3A_206, %add3A_203 : vector<16xi32>
    %gather3A_208 = tpu.vector_load_idx %arg7[%sub3A_207] : memref<128xi32, #tpu.memory_space<vmem>>[vector<16xi32>], vector<16xi32>,
    %eq3A_209 = arith.cmpi eq, %gather3A_204, %gather3A_208 : vector<16xi32>
    %select_n3A_210 = arith.select %lt3A_9, %gather3A_204, %gather3A_208 : vector<16xi1>, vector<16xi32>
    %select_n3A_211 = arith.select %eq3A_209, %get3A_12, %get3A_10 : vector<16xi1>, vector<16xf32>
    %not3A_212 = arith.constant dense<true> : vector<16xi1>
    %not3A_213 = arith.xori %eq3A_209, %not3A_212 : vector<16xi1>
    %or3A_214 = arith.ori %lt3A_9, %not3A_213 : vector<16xi1>
    tpu.vector_store_idx %arg9[%and3A_7, %select_n3A_210], %select_n3A_211 masked %or3A_214 : memref<8x10000xf32, #tpu.memory_space<vmem>>[vector<16xi32>, vector<16xi32>], vector<16xf32>, vector<16xi1>
    %add3A_215 = arith.constant 96 : i32
    %add3A_216 = arith.addi %mul3A_2, %add3A_215 : i32
    "tpu.region"() ({
      %run_scoped3A = tpu.sem_alloc : memref<!tpu.dma_semaphore, #tpu.memory_space<semaphore_mem>>
      %dma_start3A = arith.constant 0 : i32
      %dma_start3A_265 = tpu.memref_slice %arg5[%add3A_216, %dma_start3A] : memref<4096x10000xf32, #tpu.memory_space<hbm>> -> memref<8x10000xf32, #tpu.memory_space<hbm>>
      %dma_start3A_266 = arith.constant 0 : i32
      %dma_start3A_267 = tpu.memref_slice %arg5[%add3A_216, %dma_start3A_266] : memref<4096x10000xf32, #tpu.memory_space<hbm>> -> memref<8x10000xf32, #tpu.memory_space<hbm>>
      tpu.enqueue_dma source(%arg9 : memref<8x10000xf32, #tpu.memory_space<vmem>>) target(%dma_start3A_267 : memref<8x10000xf32, #tpu.memory_space<hbm>>) target_semaphore(%run_scoped3A : memref<!tpu.dma_semaphore, #tpu.memory_space<semaphore_mem>>)
      %dma_wait3A = arith.constant 0 : i32
      %dma_wait3A_268 = tpu.memref_slice %arg5[%add3A_216, %dma_wait3A] : memref<4096x10000xf32, #tpu.memory_space<hbm>> -> memref<8x10000xf32, #tpu.memory_space<hbm>>
      %dma_wait3A_269 = arith.constant 0 : i32
      %dma_wait3A_270 = tpu.memref_slice %arg5[%add3A_216, %dma_wait3A_269] : memref<4096x10000xf32, #tpu.memory_space<hbm>> -> memref<8x10000xf32, #tpu.memory_space<hbm>>
      tpu.wait_dma2 semaphore(%run_scoped3A : memref<!tpu.dma_semaphore, #tpu.memory_space<semaphore_mem>>) src(%arg9 : memref<8x10000xf32, #tpu.memory_space<vmem>>) dst(%dma_wait3A_270 : memref<8x10000xf32, #tpu.memory_space<hbm>>)
      tpu.yield
    }) : () -> ()
    tpu.vector_store_idx %arg9[%and3A_7, %select_n3A_210], %broadcast_in_dim3A_13 masked %or3A_214 : memref<8x10000xf32, #tpu.memory_space<vmem>>[vector<16xi32>, vector<16xi32>], vector<16xf32>, vector<16xi1>
    %add3A_217 = arith.constant 104 : i32
    %add3A_218 = vector.broadcast %add3A_217 : i32 to vector<16xi32>
    %add3A_219 = arith.addi %add3A_218, %and3A_7 : vector<16xi32>
    %gather3A_220 = tpu.vector_load_idx %arg6[%add3A_219] : memref<128xi32, #tpu.memory_space<vmem>>[vector<16xi32>], vector<16xi32>,
    %sub3A_221 = arith.constant 127 : i32
    %sub3A_222 = vector.broadcast %sub3A_221 : i32 to vector<16xi32>
    %sub3A_223 = arith.subi %sub3A_222, %add3A_219 : vector<16xi32>
    %gather3A_224 = tpu.vector_load_idx %arg7[%sub3A_223] : memref<128xi32, #tpu.memory_space<vmem>>[vector<16xi32>], vector<16xi32>,
    %eq3A_225 = arith.cmpi eq, %gather3A_220, %gather3A_224 : vector<16xi32>
    %select_n3A_226 = arith.select %lt3A_9, %gather3A_220, %gather3A_224 : vector<16xi1>, vector<16xi32>
    %select_n3A_227 = arith.select %eq3A_225, %get3A_12, %get3A_10 : vector<16xi1>, vector<16xf32>
    %not3A_228 = arith.constant dense<true> : vector<16xi1>
    %not3A_229 = arith.xori %eq3A_225, %not3A_228 : vector<16xi1>
    %or3A_230 = arith.ori %lt3A_9, %not3A_229 : vector<16xi1>
    tpu.vector_store_idx %arg9[%and3A_7, %select_n3A_226], %select_n3A_227 masked %or3A_230 : memref<8x10000xf32, #tpu.memory_space<vmem>>[vector<16xi32>, vector<16xi32>], vector<16xf32>, vector<16xi1>
    %add3A_231 = arith.constant 104 : i32
    %add3A_232 = arith.addi %mul3A_2, %add3A_231 : i32
    "tpu.region"() ({
      %run_scoped3A = tpu.sem_alloc : memref<!tpu.dma_semaphore, #tpu.memory_space<semaphore_mem>>
      %dma_start3A = arith.constant 0 : i32
      %dma_start3A_265 = tpu.memref_slice %arg5[%add3A_232, %dma_start3A] : memref<4096x10000xf32, #tpu.memory_space<hbm>> -> memref<8x10000xf32, #tpu.memory_space<hbm>>
      %dma_start3A_266 = arith.constant 0 : i32
      %dma_start3A_267 = tpu.memref_slice %arg5[%add3A_232, %dma_start3A_266] : memref<4096x10000xf32, #tpu.memory_space<hbm>> -> memref<8x10000xf32, #tpu.memory_space<hbm>>
      tpu.enqueue_dma source(%arg9 : memref<8x10000xf32, #tpu.memory_space<vmem>>) target(%dma_start3A_267 : memref<8x10000xf32, #tpu.memory_space<hbm>>) target_semaphore(%run_scoped3A : memref<!tpu.dma_semaphore, #tpu.memory_space<semaphore_mem>>)
      %dma_wait3A = arith.constant 0 : i32
      %dma_wait3A_268 = tpu.memref_slice %arg5[%add3A_232, %dma_wait3A] : memref<4096x10000xf32, #tpu.memory_space<hbm>> -> memref<8x10000xf32, #tpu.memory_space<hbm>>
      %dma_wait3A_269 = arith.constant 0 : i32
      %dma_wait3A_270 = tpu.memref_slice %arg5[%add3A_232, %dma_wait3A_269] : memref<4096x10000xf32, #tpu.memory_space<hbm>> -> memref<8x10000xf32, #tpu.memory_space<hbm>>
      tpu.wait_dma2 semaphore(%run_scoped3A : memref<!tpu.dma_semaphore, #tpu.memory_space<semaphore_mem>>) src(%arg9 : memref<8x10000xf32, #tpu.memory_space<vmem>>) dst(%dma_wait3A_270 : memref<8x10000xf32, #tpu.memory_space<hbm>>)
      tpu.yield
    }) : () -> ()
    tpu.vector_store_idx %arg9[%and3A_7, %select_n3A_226], %broadcast_in_dim3A_13 masked %or3A_230 : memref<8x10000xf32, #tpu.memory_space<vmem>>[vector<16xi32>, vector<16xi32>], vector<16xf32>, vector<16xi1>
    %add3A_233 = arith.constant 112 : i32
    %add3A_234 = vector.broadcast %add3A_233 : i32 to vector<16xi32>
    %add3A_235 = arith.addi %add3A_234, %and3A_7 : vector<16xi32>
    %gather3A_236 = tpu.vector_load_idx %arg6[%add3A_235] : memref<128xi32, #tpu.memory_space<vmem>>[vector<16xi32>], vector<16xi32>,
    %sub3A_237 = arith.constant 127 : i32
    %sub3A_238 = vector.broadcast %sub3A_237 : i32 to vector<16xi32>
    %sub3A_239 = arith.subi %sub3A_238, %add3A_235 : vector<16xi32>
    %gather3A_240 = tpu.vector_load_idx %arg7[%sub3A_239] : memref<128xi32, #tpu.memory_space<vmem>>[vector<16xi32>], vector<16xi32>,
    %eq3A_241 = arith.cmpi eq, %gather3A_236, %gather3A_240 : vector<16xi32>
    %select_n3A_242 = arith.select %lt3A_9, %gather3A_236, %gather3A_240 : vector<16xi1>, vector<16xi32>
    %select_n3A_243 = arith.select %eq3A_241, %get3A_12, %get3A_10 : vector<16xi1>, vector<16xf32>
    %not3A_244 = arith.constant dense<true> : vector<16xi1>
    %not3A_245 = arith.xori %eq3A_241, %not3A_244 : vector<16xi1>
    %or3A_246 = arith.ori %lt3A_9, %not3A_245 : vector<16xi1>
    tpu.vector_store_idx %arg9[%and3A_7, %select_n3A_242], %select_n3A_243 masked %or3A_246 : memref<8x10000xf32, #tpu.memory_space<vmem>>[vector<16xi32>, vector<16xi32>], vector<16xf32>, vector<16xi1>
    %add3A_247 = arith.constant 112 : i32
    %add3A_248 = arith.addi %mul3A_2, %add3A_247 : i32
    "tpu.region"() ({
      %run_scoped3A = tpu.sem_alloc : memref<!tpu.dma_semaphore, #tpu.memory_space<semaphore_mem>>
      %dma_start3A = arith.constant 0 : i32
      %dma_start3A_265 = tpu.memref_slice %arg5[%add3A_248, %dma_start3A] : memref<4096x10000xf32, #tpu.memory_space<hbm>> -> memref<8x10000xf32, #tpu.memory_space<hbm>>
      %dma_start3A_266 = arith.constant 0 : i32
      %dma_start3A_267 = tpu.memref_slice %arg5[%add3A_248, %dma_start3A_266] : memref<4096x10000xf32, #tpu.memory_space<hbm>> -> memref<8x10000xf32, #tpu.memory_space<hbm>>
      tpu.enqueue_dma source(%arg9 : memref<8x10000xf32, #tpu.memory_space<vmem>>) target(%dma_start3A_267 : memref<8x10000xf32, #tpu.memory_space<hbm>>) target_semaphore(%run_scoped3A : memref<!tpu.dma_semaphore, #tpu.memory_space<semaphore_mem>>)
      %dma_wait3A = arith.constant 0 : i32
      %dma_wait3A_268 = tpu.memref_slice %arg5[%add3A_248, %dma_wait3A] : memref<4096x10000xf32, #tpu.memory_space<hbm>> -> memref<8x10000xf32, #tpu.memory_space<hbm>>
      %dma_wait3A_269 = arith.constant 0 : i32
      %dma_wait3A_270 = tpu.memref_slice %arg5[%add3A_248, %dma_wait3A_269] : memref<4096x10000xf32, #tpu.memory_space<hbm>> -> memref<8x10000xf32, #tpu.memory_space<hbm>>
      tpu.wait_dma2 semaphore(%run_scoped3A : memref<!tpu.dma_semaphore, #tpu.memory_space<semaphore_mem>>) src(%arg9 : memref<8x10000xf32, #tpu.memory_space<vmem>>) dst(%dma_wait3A_270 : memref<8x10000xf32, #tpu.memory_space<hbm>>)
      tpu.yield
    }) : () -> ()
    tpu.vector_store_idx %arg9[%and3A_7, %select_n3A_242], %broadcast_in_dim3A_13 masked %or3A_246 : memref<8x10000xf32, #tpu.memory_space<vmem>>[vector<16xi32>, vector<16xi32>], vector<16xf32>, vector<16xi1>
    %add3A_249 = arith.constant 120 : i32
    %add3A_250 = vector.broadcast %add3A_249 : i32 to vector<16xi32>
    %add3A_251 = arith.addi %add3A_250, %and3A_7 : vector<16xi32>
    %gather3A_252 = tpu.vector_load_idx %arg6[%add3A_251] : memref<128xi32, #tpu.memory_space<vmem>>[vector<16xi32>], vector<16xi32>,
    %sub3A_253 = arith.constant 127 : i32
    %sub3A_254 = vector.broadcast %sub3A_253 : i32 to vector<16xi32>
    %sub3A_255 = arith.subi %sub3A_254, %add3A_251 : vector<16xi32>
    %gather3A_256 = tpu.vector_load_idx %arg7[%sub3A_255] : memref<128xi32, #tpu.memory_space<vmem>>[vector<16xi32>], vector<16xi32>,
    %eq3A_257 = arith.cmpi eq, %gather3A_252, %gather3A_256 : vector<16xi32>
    %select_n3A_258 = arith.select %lt3A_9, %gather3A_252, %gather3A_256 : vector<16xi1>, vector<16xi32>
    %select_n3A_259 = arith.select %eq3A_257, %get3A_12, %get3A_10 : vector<16xi1>, vector<16xf32>
    %not3A_260 = arith.constant dense<true> : vector<16xi1>
    %not3A_261 = arith.xori %eq3A_257, %not3A_260 : vector<16xi1>
    %or3A_262 = arith.ori %lt3A_9, %not3A_261 : vector<16xi1>
    tpu.vector_store_idx %arg9[%and3A_7, %select_n3A_258], %select_n3A_259 masked %or3A_262 : memref<8x10000xf32, #tpu.memory_space<vmem>>[vector<16xi32>, vector<16xi32>], vector<16xf32>, vector<16xi1>
    %add3A_263 = arith.constant 120 : i32
    %add3A_264 = arith.addi %mul3A_2, %add3A_263 : i32
    "tpu.region"() ({
      %run_scoped3A = tpu.sem_alloc : memref<!tpu.dma_semaphore, #tpu.memory_space<semaphore_mem>>
      %dma_start3A = arith.constant 0 : i32
      %dma_start3A_265 = tpu.memref_slice %arg5[%add3A_264, %dma_start3A] : memref<4096x10000xf32, #tpu.memory_space<hbm>> -> memref<8x10000xf32, #tpu.memory_space<hbm>>
      %dma_start3A_266 = arith.constant 0 : i32
      %dma_start3A_267 = tpu.memref_slice %arg5[%add3A_264, %dma_start3A_266] : memref<4096x10000xf32, #tpu.memory_space<hbm>> -> memref<8x10000xf32, #tpu.memory_space<hbm>>
      tpu.enqueue_dma source(%arg9 : memref<8x10000xf32, #tpu.memory_space<vmem>>) target(%dma_start3A_267 : memref<8x10000xf32, #tpu.memory_space<hbm>>) target_semaphore(%run_scoped3A : memref<!tpu.dma_semaphore, #tpu.memory_space<semaphore_mem>>)
      %dma_wait3A = arith.constant 0 : i32
      %dma_wait3A_268 = tpu.memref_slice %arg5[%add3A_264, %dma_wait3A] : memref<4096x10000xf32, #tpu.memory_space<hbm>> -> memref<8x10000xf32, #tpu.memory_space<hbm>>
      %dma_wait3A_269 = arith.constant 0 : i32
      %dma_wait3A_270 = tpu.memref_slice %arg5[%add3A_264, %dma_wait3A_269] : memref<4096x10000xf32, #tpu.memory_space<hbm>> -> memref<8x10000xf32, #tpu.memory_space<hbm>>
      tpu.wait_dma2 semaphore(%run_scoped3A : memref<!tpu.dma_semaphore, #tpu.memory_space<semaphore_mem>>) src(%arg9 : memref<8x10000xf32, #tpu.memory_space<vmem>>) dst(%dma_wait3A_270 : memref<8x10000xf32, #tpu.memory_space<hbm>>)
      tpu.yield
    }) : () -> ()
    tpu.vector_store_idx %arg9[%and3A_7, %select_n3A_258], %broadcast_in_dim3A_13 masked %or3A_262 : memref<8x10000xf32, #tpu.memory_space<vmem>>[vector<16xi32>, vector<16xi32>], vector<16xf32>, vector<16xi1>
    return
  }
}

module attributes {stable_mosaic.version = 14 : i64} {
  func.func @_tc_mix_body(%arg0: i32, %arg1: memref<1x1xf32, #tpu.memory_space<vmem>>, %arg2: memref<128x128xf32, #tpu.memory_space<vmem>>, %arg3: memref<128x512xf32, #tpu.memory_space<vmem>>, %arg4: memref<128x512xf32, #tpu.memory_space<vmem>>, %arg5: memref<128x512xf32, #tpu.memory_space<vmem>>) attributes {dimension_semantics = [#tpu.dimension_semantics<arbitrary>], iteration_bounds = array<i64: 32>, scalar_prefetch = 0 : i64, scratch_operands = 0 : i64, tpu.core_type = #tpu.core_type<tc>, window_params = [{pipeline_mode = #tpu.pipeline_mode<synchronous>, transform_indices = @transform_0, window_bounds = array<i64: 1, 1>}, {pipeline_mode = #tpu.pipeline_mode<synchronous>, transform_indices = @transform_1, window_bounds = array<i64: 128, 128>}, {transform_indices = @transform_2, window_bounds = array<i64: 128, 512>}, {transform_indices = @transform_3, window_bounds = array<i64: 128, 512>}, {transform_indices = @transform_4, window_bounds = array<i64: 128, 512>}]} {
    %get3A = arith.constant 0 : index
    %get3A_0 = arith.constant 0 : index
    %get3A_1 = vector.load %arg1[%get3A, %get3A_0] : memref<1x1xf32, #tpu.memory_space<vmem>>, vector<1x1xf32>
    %get3A_2 = vector.extract %get3A_1[0, 0] : f32 from vector<1x1xf32>
    %get3A_3 = arith.constant 0 : index
    %get3A_4 = arith.constant 0 : index
    %get3A_5 = vector.load %arg2[%get3A_3, %get3A_4] : memref<128x128xf32, #tpu.memory_space<vmem>>, vector<128x128xf32>
    %get3A_6 = arith.constant 0 : index
    %get3A_7 = arith.constant 0 : index
    %get3A_8 = vector.load %arg4[%get3A_6, %get3A_7] : memref<128x512xf32, #tpu.memory_space<vmem>>, vector<128x512xf32>
    %dot_general3A = arith.constant dense<0.000000e+00> : vector<128x512xf32>
    %dot_general3A_9 = tpu.matmul %get3A_5, %get3A_8, %dot_general3A {dimension_numbers = #tpu.dot_dimension_numbers<[1], [0], [0], [1], [0, 0, 1, 1], [], []>, transpose_lhs_hint = false} : vector<128x128xf32>, vector<128x512xf32>, vector<128x512xf32> -> vector<128x512xf32>
    %get3A_10 = arith.constant 0 : index
    %get3A_11 = arith.constant 0 : index
    %get3A_12 = vector.load %arg3[%get3A_10, %get3A_11] : memref<128x512xf32, #tpu.memory_space<vmem>>, vector<128x512xf32>
    %mul3A = vector.broadcast %get3A_2 : f32 to vector<128x512xf32>
    %mul3A_13 = arith.mulf %get3A_12, %mul3A : vector<128x512xf32>
    %sub3A = arith.constant 1.000000e+00 : f32
    %sub3A_14 = arith.subf %sub3A, %get3A_2 : f32
    %mul3A_15 = vector.broadcast %sub3A_14 : f32 to vector<128x512xf32>
    %mul3A_16 = arith.mulf %dot_general3A_9, %mul3A_15 : vector<128x512xf32>
    %add3A = arith.addf %mul3A_13, %mul3A_16 : vector<128x512xf32>
    %swap3A = arith.constant 0 : index
    %swap3A_17 = arith.constant 0 : index
    %swap3A_18 = vector.load %arg5[%swap3A, %swap3A_17] : memref<128x512xf32, #tpu.memory_space<vmem>>, vector<128x512xf32>
    tpu.vector_store %arg5[%swap3A, %swap3A_17], %add3A {strides = array<i32>} : memref<128x512xf32, #tpu.memory_space<vmem>>, vector<128x512xf32>,
    return
  }
  func.func @transform_0(%arg0: i32) -> (i32, i32) {
    %c0_i32 = arith.constant 0 : i32
    %c0_i32_0 = arith.constant 0 : i32
    %c0_i32_1 = arith.constant 0 : i32
    return %c0_i32, %c0_i32_0 : i32, i32
  }
  func.func @transform_1(%arg0: i32) -> (i32, i32) {
    %c0_i32 = arith.constant 0 : i32
    %c0_i32_0 = arith.constant 0 : i32
    %c0_i32_1 = arith.constant 0 : i32
    return %c0_i32, %c0_i32_0 : i32, i32
  }
  func.func @transform_2(%arg0: i32) -> (i32, i32) {
    %c0_i32 = arith.constant 0 : i32
    %c0_i32_0 = arith.constant 0 : i32
    return %arg0, %c0_i32 : i32, i32
  }
  func.func @transform_3(%arg0: i32) -> (i32, i32) {
    %sub3A = arith.constant 31 : i32
    %sub3A_0 = arith.subi %sub3A, %arg0 : i32
    %c0_i32 = arith.constant 0 : i32
    %c0_i32_1 = arith.constant 0 : i32
    return %sub3A_0, %c0_i32 : i32, i32
  }
  func.func @transform_4(%arg0: i32) -> (i32, i32) {
    %c0_i32 = arith.constant 0 : i32
    %c0_i32_0 = arith.constant 0 : i32
    return %arg0, %c0_i32 : i32, i32
  }
}

</mosaic_0001>

<sc_bundles>
// kernel: kernel.4.cloned.1.call-start
scs
__scs_entry_jumppad:
0x0: {  	(pc) =	sbr.rel $0x88, $3  }
0x1: {  	(tag) =	ssettag $0x0;
	lr =	simm.s32 $0x1  }
0x2: {  	[smem:$0x3F9F] =	sst lr;
	_ =	strace $0xD0000000  }
0x3: {  	_ = 	snop  }
0x4: {  	_ = 	snop  }
0x5: {  	_ = 	snop  }
0x6: {  	_ = 	snop  }
0x7: {  	_ = 	snop  }
__scs_overlays_trampoline_lowered:
0x8: {  	[smem:$0x3FAE] =	sst s0  }
0x9: {  	[smem:$0x3FAF] =	sst s1  }
0xa: {  	[smem:$0x3FB0] =	sst s2  }
0xb: {  	[smem:$0x3FB1] =	sst s3  }
0xc: {  	[smem:$0x3FB2] =	sst s4  }
0xd: {  	[smem:$0x3FB3] =	sst s5  }
0xe: {  	[smem:$0x3FB4] =	sst s6  }
0xf: {  	[smem:$0x3FB5] =	sst s7  }
0x10: {  	[smem:$0x3FB6] =	sst s8  }
0x11: {  	[smem:$0x3FB7] =	sst s9;
	s0 =	simm.s32 @!p0 $0x0  }
0x12: {  	s1 =	sld [smem:$0x3F9D];
	s0 =	simm.s32 @p0 $0x1  }
0x13: {  	[smem:$0x3FB8] =	sst s0;
	s0 =	simm.s32 @!p1 $0x0  }
0x14: {  	s2 =	sld [smem:$0x3F9C];
	s0 =	simm.s32 @p1 $0x1  }
0x15: {  	[smem:$0x3FB9] =	sst s0;
	s0 =	simm.s32 @!p2 $0x0  }
0x16: {  	s3 =	sld [smem:$0x3FDB];
	s0 =	simm.s32 @p2 $0x1  }
0x17: {  	s4 =	simm.s32 $0x1BF5;
	[smem:$0x3FBB] =	sst s0  }
0x18: {  	s0 =	sld [smem:$0x3F9E];
	_ =	swait.ge [sflag:s4], $0x0  }
0x19: {  	s7 =	sld [smem:$0x3F9F]  }
0x1a: {  	s8 =	sadd.s32 $0xFFFFE003, lr  }
0x1b: {  	s9 =	sadd.s32 $0xFFFFFEF7, lr;
	s5 =	simm.s32 $0xFFFFFFFF;
	p2 =	slt.u32 s8, $0xFFFFF086  }
0x1c: {  	p1 =	slt.u32 s9, $0xF7A;
	s5 =	simm.s32 @!p2 $0x0  }
0x1d: {  	s5 =	simm.s32 @p1 $0x1;
	p0 =	seq.s32 s7, s2  }
0x1e: {  	s7 =	smul.u32 @!p0 $0xF7A, s2;
	p2 =	seq.s32 @!p0 s5, $0x0  }
0x1f: {  	s9 =	smul.u32 $0xF7A, s1;
	s8 =	simm.s32 @!p0 $0x1BF5;
	p2 =	por !p2, p0  }
0x20: {  	[sflag:s8] =	ssyncset.s32 @!p0 $0xFFFFF086;
	s6 =	sadd.s32 @!p0 s3, s7;
	s7 =	simm.s32 @!p0 $0x108  }
0x21: {  	s3 =	sadd.s32 s3, s9;
	s6 =	sadd.s32 @!p0 $0x88, s6;
	s7 =	simm.s32 @p2 $0x1082  }
0x22: {  	[simem:s7], [sflag:s8] =	dma.local @!p0 [hbm:s6], $0xF7A  }
0x23: {  	s9 =	sor.u32 $0xD0000000, s2;
	s6 =	simm.s32 $0x108;
	_ =	swait.ge @!p0 [sflag:s8], $0x0  }
0x24: {  	s3 =	sadd.s32 $0x88, s3;
	s6 =	simm.s32 @!p1 $0x1082;
	[sflag:s4] =	ssyncset.s32 $0xFFFFF086  }
0x25: {  	[simem:s6], [sflag:s4] =	dma.local [hbm:s3], $0xF7A  }
0x26: {  	[smem:$0x3F9F] =	sst s1;
	(tag) =	ssettag s2;
	_ =	strace s9  }
0x27: {  	s1 =	sld [smem:$0x3FAF]  }
0x28: {  	s2 =	sld [smem:$0x3FB0]  }
0x29: {  	s4 =	sld [smem:$0x3FB2]  }
0x2a: {  	p0 =	seq.s32 s5, $0x0;
	s5 =	sld [smem:$0x3FB3]  }
0x2b: {  	s6 =	sld [smem:$0x3FB4]  }
0x2c: {  	s7 =	sld [smem:$0x3FB5]  }
0x2d: {  	s3 =	simm.s32 $0x108;
	s8 =	sld [smem:$0x3FB6]  }
0x2e: {  	s3 =	simm.s32 @!p0 $0x1082;
	s9 =	sld [smem:$0x3FB7]  }
0x2f: {  	lr =	sadd.s32 s0, s3;
	s0 =	sld [smem:$0x3FAE]  }
0x30: {  	s3 =	sld [smem:$0x3FB1]  }
0x31: {  	[smem:$0x3FBA] =	sst s10  }
0x32: {  	s10 =	sld [smem:$0x3FB8];
	_ =	sdelay $0x3  }
0x33: {  	p0 =	seq.s32 s10, $0x1;
	s10 =	sld [smem:$0x3FBA];
	_ =	sdelay $0x3  }
0x34: {  	[smem:$0x3FBA] =	sst s10  }
0x35: {  	s10 =	sld [smem:$0x3FB9];
	_ =	sdelay $0x3  }
0x36: {  	p1 =	seq.s32 s10, $0x1;
	s10 =	sld [smem:$0x3FBA];
	_ =	sdelay $0x3  }
0x37: {  	[smem:$0x3FBA] =	sst s10  }
0x38: {  	s10 =	sld [smem:$0x3FBB]  }
0x39: {  	_ = 	snop;
	(pc) =	sbr.ind lr, $3  }
0x3a: {  	_ = 	snop  }
0x3b: {  	_ = 	snop  }
0x3c: {  	p2 =	seq.s32 s10, $0x1;
	s10 =	sld [smem:$0x3FBA]  }
0x3d: {  	_ =	shalt  }
0x3e: {  	_ =	shalt  }
0x3f: {  	_ =	shalt  }
0x40: {  	_ =	shalt  }
0x41: {  	_ =	shalt  }
0x42: {  	_ =	shalt  }
0x43: {  	_ =	shalt  }
0x44: {  	_ =	shalt  }
0x45: {  	_ =	shalt  }
0x46: {  	_ =	shalt  }
0x47: {  	_ =	shalt  }
0x48: {  	_ =	shalt  }
0x49: {  	_ =	shalt  }
0x4a: {  	_ =	shalt  }
0x4b: {  	_ =	shalt  }
0x4c: {  	_ =	shalt  }
0x4d: {  	_ =	shalt  }
0x4e: {  	_ =	shalt  }
0x4f: {  	_ =	shalt  }
0x50: {  	_ =	shalt  }
0x51: {  	_ =	shalt  }
0x52: {  	_ =	shalt  }
0x53: {  	_ =	shalt  }
0x54: {  	_ =	shalt  }
0x55: {  	_ =	shalt  }
0x56: {  	_ =	shalt  }
0x57: {  	_ =	shalt  }
0x58: {  	_ =	shalt  }
0x59: {  	_ =	shalt  }
0x5a: {  	_ =	shalt  }
0x5b: {  	_ =	shalt  }
0x5c: {  	_ =	shalt  }
0x5d: {  	_ =	shalt  }
0x5e: {  	_ =	shalt  }
0x5f: {  	_ =	shalt  }
0x60: {  	_ =	shalt  }
0x61: {  	_ =	shalt  }
0x62: {  	_ =	shalt  }
0x63: {  	_ =	shalt  }
0x64: {  	_ =	shalt  }
0x65: {  	_ =	shalt  }
0x66: {  	_ =	shalt  }
0x67: {  	_ =	shalt  }
0x68: {  	_ =	shalt  }
0x69: {  	_ =	shalt  }
0x6a: {  	_ =	shalt  }
0x6b: {  	_ =	shalt  }
0x6c: {  	_ =	shalt  }
0x6d: {  	_ =	shalt  }
0x6e: {  	_ =	shalt  }
0x6f: {  	_ =	shalt  }
0x70: {  	_ =	shalt  }
0x71: {  	_ =	shalt  }
0x72: {  	_ =	shalt  }
0x73: {  	_ =	shalt  }
0x74: {  	_ =	shalt  }
0x75: {  	_ =	shalt  }
0x76: {  	_ =	shalt  }
0x77: {  	_ =	shalt  }
0x78: {  	_ =	shalt  }
0x79: {  	_ =	shalt  }
0x7a: {  	_ =	shalt  }
0x7b: {  	_ =	shalt  }
0x7c: {  	_ =	shalt  }
0x7d: {  	_ =	shalt  }
0x7e: {  	_ =	shalt  }
0x7f: {  	_ =	shalt  }
0x80: {  	_ =	shalt  }
0x81: {  	_ =	shalt  }
0x82: {  	_ =	shalt  }
0x83: {  	_ =	shalt  }
0x84: {  	_ =	shalt  }
0x85: {  	_ =	shalt  }
0x86: {  	_ =	shalt  }
0x87: {  	_ =	shalt  }
.Lfunc_end0:
.L_simem_size_0:
called_computation_lowered:
.L_overlay_start_0:
0x88: {  	s2 =	sld [smem:$0x3FD9]  }
0x89: {  	s3 =	sld [smem:$0x3FFE];
	_ =	sdelay $0x1  }
0x8a: {  	s1 =	srdreg.scid  }
0x8b: {  	s0 =	sand.u32 $0x1, s1  }
0x8c: {  	s14 =	sshll.u32 s0, $0xA;
	s2 =	sadd.s32 s3, s2  }
0x8d: {  	s2 =	sadd.s32 s2, s14  }
0x8e: {  	[smem:$0x3FC6] =	sst s2  }
0x8f: {  	_ = 	snop  }
0x90: {  	s2 =	sld [smem:$0x3FD0];
	_ =	sdelay $0x2  }
0x91: {  	s4 =	simm.s32 $0xA;
	s5 =	simm.s32 $0x10;
	s15 =	sld [smem:$0x3FC8]  }
0x92: {  	[smem:s5], [sflag:s4] =	dma.local [hbm:s2], $0x1  }
0x93: {  	_ =	swait.eq [sflag:s4], $0x1  }
0x94: {  	[sflag:s4] =	ssyncset.done $0x0  }
0x95: {  	[sflag:s4] =	ssyncadd.s32 $0xFFFFFFFF  }
0x96: {  	s16 =	sld [smem:$0x11];
	(tm) =	ssettm $0x1  }
0x97: {  	s17 =	sld [smem:$0x3FFB];
	_ =	sdelay $0x3  }
0x98: {  	_ =	strace s17  }
0x99: {  	s4 =	sld [smem:$0x3FFC];
	_ =	sdelay $0x3  }
0x9a: {  	_ =	strace s4  }
0x9b: {  	s4 =	sld [smem:$0x3FFD];
	_ =	sdelay $0x3  }
0x9c: {  	_ =	strace s4  }
0x9d: {  	_ =	strace $0x8FFFFFFF  }
0x9e: {  	s18 =	sld [smem:$0x3FDB];
	_ =	sdelay $0x1  }
0x9f: {  	s19 =	simm.s32 $_scs_section_size  }
0xa0: {  	s6 =	simm.s32 $_size__tile_overlayer_lowered;
	s7 =	simm.s32 $_tile_overlayer_lowered  }
0xa1: {  	s22 =	simm.s32 $0x1BFF;
	s21 =	sshll.u32 s7, $0x1;
	s4 =	sadd.s32 s19, s18  }
0xa2: {  	s8 =	simm.s32 $0x0;
	s20 =	sshll.u32 s6, $0x1;
	s6 =	sadd.s32 s21, s4  }
0xa3: {  	[timem:s8], [sflag:s22] =	dma.local [hbm:s6], s20  }
0xa4: {  	_ =	swait.ge [sflag:s22], s20  }
0xa5: {  	s5 =	ssub.s32 $0x0, s20;
	[sflag:s22] =	ssyncset.done $0x0  }
0xa6: {  	[sflag:s22] =	ssyncadd.s32 s5;
	_ =	sdelay $0x1  }
0xa7: {  	s23 =	simm.s32 $0x1B8B  }
0xa8: {  	_ =	swait.ge [sflag:s23], $0x1  }
0xa9: {  	[sflag:s23] =	ssyncset.done $0x0  }
0xaa: {  	s25 =	simm.s32 $0x1B8E;
	s24 =	sld [smem:$0x3FFE];
	[sflag:s23] =	ssyncadd.s32 $0xFFFFFFFF  }
0xab: {  	s26 =	simm.s32 $execute0_lowered;
	[smem:$0x3FD2] =	sst s25  }
0xac: {  	s6 =	sshll.u32 s26, $0x1;
	_ =	strace $0x80000046;
	[dreg:$0x1] =	wrdreg $0xFFFFFFFF  }
0xad: {  	s28 =	simm.s32 $_size_execute0_lowered;
	s4 =	sadd.s32 s4, s6;
	[dreg:$0x0] =	wrdreg $0x0  }
0xae: {  	s6 =	sshll.u32 s28, $0x1;
	[dreg:$0x2] =	wrdreg s4  }
0xaf: {  	[dreg:$0x3] =	wrdreg s6  }
0xb0: {  	[dreg:$0x4] =	wrdreg $0xC0  }
0xb1: {  	_ =	task [dreg:s8], $0x5FFFF  }
0xb2: {  	[dreg:$0x1] =	wrdreg $0xFFFFFFFF  }
0xb3: {  	[dreg:$0x0] =	wrdreg $0x60  }
0xb4: {  	[dreg:$0x2] =	wrdreg s15  }
0xb5: {  	[dreg:$0x3] =	wrdreg s24  }
0xb6: {  	[dreg:$0x4] =	wrdreg s16  }
0xb7: {  	[dreg:$0x5] =	wrdreg $0x9  }
0xb8: {  	_ =	task.clear_ibuf [dreg:s8], $0x6FFFF;
	_ =	strace $0x90000046  }
0xb9: {  	s29 =	simm.s32 $0x9;
	_ =	strace $0x80000048  }
0xba: {  	_ =	swait.ge [sflag:s29], $0x1  }
0xbb: {  	[sflag:s29] =	ssyncadd.s32 $0xFFFFFFFF  }
0xbc: {  	_ =	strace $0x90000048  }
0xbd: {  	_ =	sfence  }
0xbe: {  	s30 =	sld [smem:$0x0];
	_ =	sdelay $0x2  }
0xbf: {  	s31 =	sshll.u32 s1, $0xD;
	s1 =	sshrl.u32 s1, $0x2  }
0xc0: {  	s3 =	sand.u32 $0x4000, s31;
	s1 =	sadd.s32 s1, s30  }
0xc1: {  	s0 =	sor.u32 s3, s0;
	s1 =	sshll.u32 s1, $0x11  }
0xc2: {  	s0 =	sor.u32 s1, s0  }
0xc3: {  	s0 =	sadd.s32 $0x8F2B, s0  }
0xc4: {  	[sflag:s0] =	ssyncadd.remote.s32 $0x1  }
0xc5: {  	_ =	sfence.sel $0xFFFF  }
0xc6: {  	[dreg:$0x0] =	wrdreg $0xFFFFFFFF;
	(pc) =	sbr.abs _section_cstart, $3  }
0xc7: {  	[dreg:$0x1] =	wrdreg $0xFFFFFFFF  }
0xc8: {  	_ =	task.clear_ibuf [dreg:s8], $0x2FFFF;
	_ =	strace $0x9FFFFFFF  }
0xc9: {  	(tm) =	ssettm $0x7FFFFFFF  }
tec
execute0_lowered:
.L_overlay_start_1:
0x0: {  	(tag) =	ssettag $0x1  }
0x1: {  	s6 =	rddreg [dreg:$0x0]  }
0x2: {  	s5 =	rddreg [dreg:$0x1]  }
0x3: {  	s1 =	rddreg [dreg:$0x2]  }
0x4: {  	s0 =	rddreg [dreg:$0x3]  }
0x5: {  	s4 =	srdreg.scid;
	s3 =	simm.s32 $0x0;
	s2 =	stileid.u32  }
0x6: {  	s28 =	simm.s32 $0x100;
	s29 =	simm.s32 $0x1;
	s7 =	sand.u32 $0x1, s4  }
0x7: {  	v0 =	vlaneseq.u32;
	[smem:$0x7FF] =	sst s3;
	s24 =	sshll.u32 s2, $0x8;
	s4 =	sadd.s32 $0x3A00, s5  }
0x8: {  	vm0 =	vmmov $0xff;
	v3 =	vimm.f32 $0.0e+00;
	v0 =	vand.u32 $0x7, v0;
	s10 =	sadd.s32 $0x3C00, s5;
	s8 =	sshll.u32 s7, $0x7;
	s7 =	ssub.s32 $0x2, s7  }
0x9: {  	v33 =	vmul.u32 $0xFFFFFFFF, v0;
	_ =	strace $0x80000047;
	v2 =	vmul.u32 $0x80, v0;
	v4 =	vor.u32 $0x8, v0;
	s8 =	sor.u32 s8, s24;
	s25 =	sshrl.u32 s7, $0x1  }
0xa: {  	v6 =	vor.u32 $0x10, v0;
	v8 =	vor.u32 $0x18, v0;
	v10 =	vor.u32 $0x20, v0;
	s24 =	simm.s32 $0x180;
	s9 =	sshrl.u32 s8, $0x3;
	s23 =	ssub.s32 s7, s25  }
0xb: {  	v12 =	vor.u32 $0x28, v0;
	v14 =	vor.u32 $0x30, v0;
	v16 =	vor.u32 $0x38, v0;
	s26 =	sxor.u32 $0xF80, s8;
	s25 =	simm.s32 $0x2;
	s11 =	smul.u32 $0x13C00, s9  }
0xc: {  	v18 =	vor.u32 $0x40, v0;
	v20 =	vor.u32 $0x48, v0;
	v22 =	vor.u32 $0x50, v0;
	s30 =	smul.u32 $0x2780, s9;
	s5 =	sadd.s32 s6, s9;
	s7 =	sshrl.u32 s26, $0x3  }
0xd: {  	v24 =	vor.u32 $0x58, v0;
	v26 =	vor.u32 $0x60, v0;
	v28 =	vor.u32 $0x68, v0;
	s23 =	smax.u32 s23, $0x1;
	s26 =	simm.s32 $0x80;
	s31 =	sshrl.u32 s11, $0x3  }
0xe: {  	v30 =	vor.u32 $0x70, v0;
	v32 =	vor.u32 $0x78, v0;
	v1 =	vadd.s32 $0x7F, v33;
	s6 =	sadd.s32 s6, s7;
	s7 =	sadd.s32 s10, s30;
	s22 =	sadd.s32 s10, s31  }
0xf: {  	v5 =	vadd.s32 $0x77, v33;
	v7 =	vadd.s32 $0x6F, v33;
	v9 =	vadd.s32 $0x67, v33;
	s8 =	sadd.s32 $0x2780, s22;
	s9 =	sadd.s32 $0x4F00, s22;
	s10 =	sadd.s32 $0x7680, s22  }
0x10: {  	v11 =	vadd.s32 $0x5F, v33;
	v13 =	vadd.s32 $0x57, v33;
	v15 =	vadd.s32 $0x4F, v33;
	s11 =	sadd.s32 $0x9E00, s22;
	s12 =	sadd.s32 $0xC580, s22;
	s13 =	sadd.s32 $0xED00, s22  }
0x11: {  	v17 =	vadd.s32 $0x47, v33;
	v19 =	vadd.s32 $0x3F, v33;
	v21 =	vadd.s32 $0x37, v33;
	s14 =	sadd.s32 $0x11480, s22;
	s15 =	sadd.s32 $0x13C00, s22;
	s16 =	sadd.s32 $0x16380, s22  }
0x12: {  	v23 =	vadd.s32 $0x2F, v33;
	v25 =	vadd.s32 $0x27, v33;
	v27 =	vadd.s32 $0x1F, v33;
	s17 =	sadd.s32 $0x18B00, s22;
	s18 =	sadd.s32 $0x1B280, s22;
	s19 =	sadd.s32 $0x1DA00, s22  }
0x13: {  	v29 =	vadd.s32 $0x17, v33;
	v31 =	vadd.s32 $0xF, v33;
	v33 =	vadd.s32 $0x7, v33;
	s20 =	sadd.s32 $0x20180, s22;
	s21 =	sadd.s32 $0x22900, s22;
	s22 =	sadd.s32 $0x25080, s22  }
.LBB2_1:
0x14: {  	[tilespmem:s24], [sflag:$0x1] =	stream.linear.gather [hbm4b:s1+s3], $0x13C00, $0x38;
	[tilespmem:$0x13D80] =	vst v63  }
0x15: {  	_ = 	snop  }
0x16: {  	[tilespmem:s3], [sflag:$0x2] =	stream.linear.gather [hbm4b:s5+s3], $0x80, $0x38;
	[tilespmem:$0x13D80] =	vst v63  }
0x17: {  	_ =	swait.ge [sflag:s25], $0x80  }
0x18: {  	[sflag:s25] =	ssyncset.done $0x0  }
0x19: {  	[sflag:s25] =	ssyncadd.s32 $0xFFFFFF80  }
0x1a: {  	[tilespmem:s26], [sflag:$0x2] =	stream.linear.gather [hbm4b:s6+s3], $0x80, $0x38;
	[tilespmem:$0x13D80] =	vst v63  }
0x1b: {  	_ =	swait.ge [sflag:s25], $0x80  }
0x1c: {  	[sflag:s25] =	ssyncset.done $0x0  }
0x1d: {  	[sflag:s25] =	ssyncadd.s32 $0xFFFFFF80  }
0x1e: {  	[tilespmem:s28], [sflag:$0x2] =	stream.linear.gather [hbm4b:s4+s3], $0x80, $0x38;
	[tilespmem:$0x13D80] =	vst v63  }
0x1f: {  	_ =	swait.ge [sflag:s25], $0x80  }
0x20: {  	[sflag:s25] =	ssyncset.done $0x0  }
0x21: {  	[sflag:s25] =	ssyncadd.s32 $0xFFFFFF80  }
0x22: {  	v34 =	vld [tilespmem:$0x100]  }
0x23: {  	v35 =	vld [tilespmem:$0x110];
	_ =	swait.ge [sflag:s29], $0x13C00  }
0x24: {  	[sflag:s29] =	ssyncset.done $0x0  }
0x25: {  	[sflag:s29] =	ssyncadd.s32 $0xFFFEC400  }
0x26: {  	v36 =	vld.idx.msk [tilespmem:v0+s3+$0x0], $0xffff  }
0x27: {  	v37 =	vld.idx.msk [tilespmem:v1+s26+$0x0], $0xffff;
	_ =	sdelay $0x4  }
0x28: {  	v38 =	vsel vm0, v36, v37  }
0x29: {  	v39 =	vshll.u32 v38, $0x3  }
0x2a: {  	vm1 =	vne.s32 v36, v37;
	v40 =	vand.u32 $0x7F, v38;
	v41 =	vand.u32 $0xFFFFFC00, v39  }
0x2b: {  	vm2 =	vmor vm1, vm0;
	v36 =	vor.u32 v41, v40  }
0x2c: {  	v36 =	vor.u32 v2, v36;
	_ =	sdelay $0x3  }
0x2d: {  	v42 =	vsel vm1, v34, v35  }
0x2e: {  	[tilespmem:v36+s24+$0x0] =	vst.idx.msk vm2, v42  }
0x2f: {  	[hbm4b:s7+s3] =	stream.linear.scatter [tilespmem:s24], [sflag:$0x2], $0x13C00, $0x38;
	[tilespmem:$0x13D80] =	vst v63  }
0x30: {  	_ =	swait.ge [sflag:s25], $0x13C00  }
0x31: {  	[sflag:s25] =	ssyncset.done $0x0  }
0x32: {  	[sflag:s25] =	ssyncadd.s32 $0xFFFEC400  }
0x33: {  	[tilespmem:v36+s24+$0x0] =	vst.idx.msk vm2, v3  }
0x34: {  	v36 =	vld.idx.msk [tilespmem:v4+s3+$0x0], $0xffff  }
0x35: {  	v43 =	vld.idx.msk [tilespmem:v5+s26+$0x0], $0xffff;
	_ =	sdelay $0x4  }
0x36: {  	v44 =	vsel vm0, v36, v43  }
0x37: {  	v45 =	vshll.u32 v44, $0x3  }
0x38: {  	vm1 =	vne.s32 v36, v43;
	v46 =	vand.u32 $0x7F, v44;
	v47 =	vand.u32 $0xFFFFFC00, v45  }
0x39: {  	vm2 =	vmor vm1, vm0;
	v36 =	vor.u32 v47, v46  }
0x3a: {  	v36 =	vor.u32 v2, v36;
	_ =	sdelay $0x3  }
0x3b: {  	v48 =	vsel vm1, v34, v35  }
0x3c: {  	[tilespmem:v36+s24+$0x0] =	vst.idx.msk vm2, v48  }
0x3d: {  	[hbm4b:s8+s3] =	stream.linear.scatter [tilespmem:s24], [sflag:$0x2], $0x13C00, $0x38;
	[tilespmem:$0x13D80] =	vst v63  }
0x3e: {  	_ =	swait.ge [sflag:s25], $0x13C00  }
0x3f: {  	[sflag:s25] =	ssyncset.done $0x0  }
0x40: {  	[sflag:s25] =	ssyncadd.s32 $0xFFFEC400  }
0x41: {  	[tilespmem:v36+s24+$0x0] =	vst.idx.msk vm2, v3  }
0x42: {  	v36 =	vld.idx.msk [tilespmem:v6+s3+$0x0], $0xffff  }
0x43: {  	v49 =	vld.idx.msk [tilespmem:v7+s26+$0x0], $0xffff;
	_ =	sdelay $0x4  }
0x44: {  	v50 =	vsel vm0, v36, v49  }
0x45: {  	v51 =	vshll.u32 v50, $0x3  }
0x46: {  	vm1 =	vne.s32 v36, v49;
	v52 =	vand.u32 $0x7F, v50;
	v53 =	vand.u32 $0xFFFFFC00, v51  }
0x47: {  	vm2 =	vmor vm1, vm0;
	v36 =	vor.u32 v53, v52  }
0x48: {  	v36 =	vor.u32 v2, v36;
	_ =	sdelay $0x3  }
0x49: {  	v54 =	vsel vm1, v34, v35  }
0x4a: {  	[tilespmem:v36+s24+$0x0] =	vst.idx.msk vm2, v54  }
0x4b: {  	[hbm4b:s9+s3] =	stream.linear.scatter [tilespmem:s24], [sflag:$0x2], $0x13C00, $0x38;
	[tilespmem:$0x13D80] =	vst v63  }
0x4c: {  	_ =	swait.ge [sflag:s25], $0x13C00  }
0x4d: {  	[sflag:s25] =	ssyncset.done $0x0  }
0x4e: {  	[sflag:s25] =	ssyncadd.s32 $0xFFFEC400  }
0x4f: {  	[tilespmem:v36+s24+$0x0] =	vst.idx.msk vm2, v3  }
0x50: {  	v36 =	vld.idx.msk [tilespmem:v8+s3+$0x0], $0xffff  }
0x51: {  	v55 =	vld.idx.msk [tilespmem:v9+s26+$0x0], $0xffff;
	_ =	sdelay $0x4  }
0x52: {  	v56 =	vsel vm0, v36, v55  }
0x53: {  	v57 =	vshll.u32 v56, $0x3  }
0x54: {  	vm1 =	vne.s32 v36, v55;
	v58 =	vand.u32 $0x7F, v56;
	v59 =	vand.u32 $0xFFFFFC00, v57  }
0x55: {  	vm2 =	vmor vm1, vm0;
	v36 =	vor.u32 v59, v58  }
0x56: {  	v36 =	vor.u32 v2, v36;
	_ =	sdelay $0x3  }
0x57: {  	v60 =	vsel vm1, v34, v35  }
0x58: {  	[tilespmem:v36+s24+$0x0] =	vst.idx.msk vm2, v60  }
0x59: {  	[hbm4b:s10+s3] =	stream.linear.scatter [tilespmem:s24], [sflag:$0x2], $0x13C00, $0x38;
	[tilespmem:$0x13D80] =	vst v63  }
0x5a: {  	_ =	swait.ge [sflag:s25], $0x13C00  }
0x5b: {  	[sflag:s25] =	ssyncset.done $0x0  }
0x5c: {  	[sflag:s25] =	ssyncadd.s32 $0xFFFEC400  }
0x5d: {  	[tilespmem:v36+s24+$0x0] =	vst.idx.msk vm2, v3  }
0x5e: {  	v36 =	vld.idx.msk [tilespmem:v10+s3+$0x0], $0xffff  }
0x5f: {  	v61 =	vld.idx.msk [tilespmem:v11+s26+$0x0], $0xffff;
	_ =	sdelay $0x4  }
0x60: {  	v62 =	vsel vm0, v36, v61  }
0x61: {  	v63 =	vshll.u32 v62, $0x3  }
0x62: {  	vm1 =	vne.s32 v36, v61;
	v40 =	vand.u32 $0x7F, v62;
	v41 =	vand.u32 $0xFFFFFC00, v63  }
0x63: {  	vm2 =	vmor vm1, vm0;
	v36 =	vor.u32 v41, v40  }
0x64: {  	v36 =	vor.u32 v2, v36;
	_ =	sdelay $0x3  }
0x65: {  	v42 =	vsel vm1, v34, v35  }
0x66: {  	[tilespmem:v36+s24+$0x0] =	vst.idx.msk vm2, v42  }
0x67: {  	[hbm4b:s11+s3] =	stream.linear.scatter [tilespmem:s24], [sflag:$0x2], $0x13C00, $0x38;
	[tilespmem:$0x13D80] =	vst v63  }
0x68: {  	_ =	swait.ge [sflag:s25], $0x13C00  }
0x69: {  	[sflag:s25] =	ssyncset.done $0x0  }
0x6a: {  	[sflag:s25] =	ssyncadd.s32 $0xFFFEC400  }
0x6b: {  	[tilespmem:v36+s24+$0x0] =	vst.idx.msk vm2, v3  }
0x6c: {  	v36 =	vld.idx.msk [tilespmem:v12+s3+$0x0], $0xffff  }
0x6d: {  	v43 =	vld.idx.msk [tilespmem:v13+s26+$0x0], $0xffff;
	_ =	sdelay $0x4  }
0x6e: {  	v44 =	vsel vm0, v36, v43  }
0x6f: {  	v45 =	vshll.u32 v44, $0x3  }
0x70: {  	vm1 =	vne.s32 v36, v43;
	v46 =	vand.u32 $0x7F, v44;
	v47 =	vand.u32 $0xFFFFFC00, v45  }
0x71: {  	vm2 =	vmor vm1, vm0;
	v36 =	vor.u32 v47, v46  }
0x72: {  	v36 =	vor.u32 v2, v36;
	_ =	sdelay $0x3  }
0x73: {  	v48 =	vsel vm1, v34, v35  }
0x74: {  	[tilespmem:v36+s24+$0x0] =	vst.idx.msk vm2, v48  }
0x75: {  	[hbm4b:s12+s3] =	stream.linear.scatter [tilespmem:s24], [sflag:$0x2], $0x13C00, $0x38;
	[tilespmem:$0x13D80] =	vst v63  }
0x76: {  	_ =	swait.ge [sflag:s25], $0x13C00  }
0x77: {  	[sflag:s25] =	ssyncset.done $0x0  }
0x78: {  	[sflag:s25] =	ssyncadd.s32 $0xFFFEC400  }
0x79: {  	[tilespmem:v36+s24+$0x0] =	vst.idx.msk vm2, v3  }
0x7a: {  	v36 =	vld.idx.msk [tilespmem:v14+s3+$0x0], $0xffff  }
0x7b: {  	v49 =	vld.idx.msk [tilespmem:v15+s26+$0x0], $0xffff;
	_ =	sdelay $0x4  }
0x7c: {  	v50 =	vsel vm0, v36, v49  }
0x7d: {  	v51 =	vshll.u32 v50, $0x3  }
0x7e: {  	vm1 =	vne.s32 v36, v49;
	v52 =	vand.u32 $0x7F, v50;
	v53 =	vand.u32 $0xFFFFFC00, v51  }
0x7f: {  	vm2 =	vmor vm1, vm0;
	v36 =	vor.u32 v53, v52  }
0x80: {  	v36 =	vor.u32 v2, v36;
	_ =	sdelay $0x3  }
0x81: {  	v54 =	vsel vm1, v34, v35  }
0x82: {  	[tilespmem:v36+s24+$0x0] =	vst.idx.msk vm2, v54  }
0x83: {  	[hbm4b:s13+s3] =	stream.linear.scatter [tilespmem:s24], [sflag:$0x2], $0x13C00, $0x38;
	[tilespmem:$0x13D80] =	vst v63  }
0x84: {  	_ =	swait.ge [sflag:s25], $0x13C00  }
0x85: {  	[sflag:s25] =	ssyncset.done $0x0  }
0x86: {  	[sflag:s25] =	ssyncadd.s32 $0xFFFEC400  }
0x87: {  	[tilespmem:v36+s24+$0x0] =	vst.idx.msk vm2, v3  }
0x88: {  	v36 =	vld.idx.msk [tilespmem:v16+s3+$0x0], $0xffff  }
0x89: {  	v55 =	vld.idx.msk [tilespmem:v17+s26+$0x0], $0xffff;
	_ =	sdelay $0x4  }
0x8a: {  	v56 =	vsel vm0, v36, v55  }
0x8b: {  	v57 =	vshll.u32 v56, $0x3  }
0x8c: {  	vm1 =	vne.s32 v36, v55;
	v58 =	vand.u32 $0x7F, v56;
	v59 =	vand.u32 $0xFFFFFC00, v57  }
0x8d: {  	vm2 =	vmor vm1, vm0;
	v36 =	vor.u32 v59, v58  }
0x8e: {  	v36 =	vor.u32 v2, v36;
	_ =	sdelay $0x3  }
0x8f: {  	v60 =	vsel vm1, v34, v35  }
0x90: {  	[tilespmem:v36+s24+$0x0] =	vst.idx.msk vm2, v60  }
0x91: {  	[hbm4b:s14+s3] =	stream.linear.scatter [tilespmem:s24], [sflag:$0x2], $0x13C00, $0x38;
	[tilespmem:$0x13D80] =	vst v63  }
0x92: {  	_ =	swait.ge [sflag:s25], $0x13C00  }
0x93: {  	[sflag:s25] =	ssyncset.done $0x0  }
0x94: {  	[sflag:s25] =	ssyncadd.s32 $0xFFFEC400  }
0x95: {  	[tilespmem:v36+s24+$0x0] =	vst.idx.msk vm2, v3  }
0x96: {  	v36 =	vld.idx.msk [tilespmem:v18+s3+$0x0], $0xffff  }
0x97: {  	v61 =	vld.idx.msk [tilespmem:v19+s26+$0x0], $0xffff;
	_ =	sdelay $0x4  }
0x98: {  	v62 =	vsel vm0, v36, v61  }
0x99: {  	v63 =	vshll.u32 v62, $0x3  }
0x9a: {  	vm1 =	vne.s32 v36, v61;
	v42 =	vand.u32 $0x7F, v62;
	v43 =	vand.u32 $0xFFFFFC00, v63  }
0x9b: {  	vm2 =	vmor vm1, vm0;
	v36 =	vor.u32 v43, v42  }
0x9c: {  	v36 =	vor.u32 v2, v36;
	_ =	sdelay $0x3  }
0x9d: {  	v44 =	vsel vm1, v34, v35  }
0x9e: {  	[tilespmem:v36+s24+$0x0] =	vst.idx.msk vm2, v44  }
0x9f: {  	[hbm4b:s15+s3] =	stream.linear.scatter [tilespmem:s24], [sflag:$0x2], $0x13C00, $0x38;
	[tilespmem:$0x13D80] =	vst v63  }
0xa0: {  	_ =	swait.ge [sflag:s25], $0x13C00  }
0xa1: {  	[sflag:s25] =	ssyncset.done $0x0  }
0xa2: {  	[sflag:s25] =	ssyncadd.s32 $0xFFFEC400  }
0xa3: {  	[tilespmem:v36+s24+$0x0] =	vst.idx.msk vm2, v3  }
0xa4: {  	v36 =	vld.idx.msk [tilespmem:v20+s3+$0x0], $0xffff  }
0xa5: {  	v45 =	vld.idx.msk [tilespmem:v21+s26+$0x0], $0xffff;
	_ =	sdelay $0x4  }
0xa6: {  	v46 =	vsel vm0, v36, v45  }
0xa7: {  	v47 =	vshll.u32 v46, $0x3  }
0xa8: {  	vm1 =	vne.s32 v36, v45;
	v48 =	vand.u32 $0x7F, v46;
	v49 =	vand.u32 $0xFFFFFC00, v47  }
0xa9: {  	vm2 =	vmor vm1, vm0;
	v36 =	vor.u32 v49, v48  }
0xaa: {  	v36 =	vor.u32 v2, v36;
	_ =	sdelay $0x3  }
0xab: {  	v50 =	vsel vm1, v34, v35  }
0xac: {  	[tilespmem:v36+s24+$0x0] =	vst.idx.msk vm2, v50  }
0xad: {  	[hbm4b:s16+s3] =	stream.linear.scatter [tilespmem:s24], [sflag:$0x2], $0x13C00, $0x38;
	[tilespmem:$0x13D80] =	vst v63  }
0xae: {  	_ =	swait.ge [sflag:s25], $0x13C00  }
0xaf: {  	[sflag:s25] =	ssyncset.done $0x0  }
0xb0: {  	[sflag:s25] =	ssyncadd.s32 $0xFFFEC400  }
0xb1: {  	[tilespmem:v36+s24+$0x0] =	vst.idx.msk vm2, v3  }
0xb2: {  	v36 =	vld.idx.msk [tilespmem:v22+s3+$0x0], $0xffff  }
0xb3: {  	v51 =	vld.idx.msk [tilespmem:v23+s26+$0x0], $0xffff;
	_ =	sdelay $0x4  }
0xb4: {  	v52 =	vsel vm0, v36, v51  }
0xb5: {  	v53 =	vshll.u32 v52, $0x3  }
0xb6: {  	vm1 =	vne.s32 v36, v51;
	v54 =	vand.u32 $0x7F, v52;
	v55 =	vand.u32 $0xFFFFFC00, v53  }
0xb7: {  	vm2 =	vmor vm1, vm0;
	v36 =	vor.u32 v55, v54  }
0xb8: {  	v36 =	vor.u32 v2, v36;
	_ =	sdelay $0x3  }
0xb9: {  	v56 =	vsel vm1, v34, v35  }
0xba: {  	[tilespmem:v36+s24+$0x0] =	vst.idx.msk vm2, v56  }
0xbb: {  	[hbm4b:s17+s3] =	stream.linear.scatter [tilespmem:s24], [sflag:$0x2], $0x13C00, $0x38;
	[tilespmem:$0x13D80] =	vst v63  }
0xbc: {  	_ =	swait.ge [sflag:s25], $0x13C00  }
0xbd: {  	[sflag:s25] =	ssyncset.done $0x0  }
0xbe: {  	[sflag:s25] =	ssyncadd.s32 $0xFFFEC400  }
0xbf: {  	[tilespmem:v36+s24+$0x0] =	vst.idx.msk vm2, v3  }
0xc0: {  	v36 =	vld.idx.msk [tilespmem:v24+s3+$0x0], $0xffff  }
0xc1: {  	v57 =	vld.idx.msk [tilespmem:v25+s26+$0x0], $0xffff;
	_ =	sdelay $0x4  }
0xc2: {  	v58 =	vsel vm0, v36, v57  }
0xc3: {  	v59 =	vshll.u32 v58, $0x3  }
0xc4: {  	vm1 =	vne.s32 v36, v57;
	v60 =	vand.u32 $0x7F, v58;
	v61 =	vand.u32 $0xFFFFFC00, v59  }
0xc5: {  	vm2 =	vmor vm1, vm0;
	v36 =	vor.u32 v61, v60  }
0xc6: {  	v36 =	vor.u32 v2, v36;
	_ =	sdelay $0x3  }
0xc7: {  	v62 =	vsel vm1, v34, v35  }
0xc8: {  	[tilespmem:v36+s24+$0x0] =	vst.idx.msk vm2, v62  }
0xc9: {  	[hbm4b:s18+s3] =	stream.linear.scatter [tilespmem:s24], [sflag:$0x2], $0x13C00, $0x38;
	[tilespmem:$0x13D80] =	vst v63  }
0xca: {  	_ =	swait.ge [sflag:s25], $0x13C00  }
0xcb: {  	[sflag:s25] =	ssyncset.done $0x0  }
0xcc: {  	[sflag:s25] =	ssyncadd.s32 $0xFFFEC400  }
0xcd: {  	[tilespmem:v36+s24+$0x0] =	vst.idx.msk vm2, v3  }
0xce: {  	v36 =	vld.idx.msk [tilespmem:v26+s3+$0x0], $0xffff  }
0xcf: {  	v63 =	vld.idx.msk [tilespmem:v27+s26+$0x0], $0xffff;
	_ =	sdelay $0x4  }
0xd0: {  	v42 =	vsel vm0, v36, v63  }
0xd1: {  	v43 =	vshll.u32 v42, $0x3  }
0xd2: {  	vm1 =	vne.s32 v36, v63;
	v44 =	vand.u32 $0x7F, v42;
	v45 =	vand.u32 $0xFFFFFC00, v43  }
0xd3: {  	vm2 =	vmor vm1, vm0;
	v36 =	vor.u32 v45, v44  }
0xd4: {  	v36 =	vor.u32 v2, v36;
	_ =	sdelay $0x3  }
0xd5: {  	v46 =	vsel vm1, v34, v35  }
0xd6: {  	[tilespmem:v36+s24+$0x0] =	vst.idx.msk vm2, v46  }
0xd7: {  	[hbm4b:s19+s3] =	stream.linear.scatter [tilespmem:s24], [sflag:$0x2], $0x13C00, $0x38;
	[tilespmem:$0x13D80] =	vst v63  }
0xd8: {  	_ =	swait.ge [sflag:s25], $0x13C00  }
0xd9: {  	[sflag:s25] =	ssyncset.done $0x0  }
0xda: {  	[sflag:s25] =	ssyncadd.s32 $0xFFFEC400  }
0xdb: {  	[tilespmem:v36+s24+$0x0] =	vst.idx.msk vm2, v3  }
0xdc: {  	v36 =	vld.idx.msk [tilespmem:v28+s3+$0x0], $0xffff  }
0xdd: {  	v47 =	vld.idx.msk [tilespmem:v29+s26+$0x0], $0xffff;
	_ =	sdelay $0x4  }
0xde: {  	v48 =	vsel vm0, v36, v47  }
0xdf: {  	v49 =	vshll.u32 v48, $0x3  }
0xe0: {  	vm1 =	vne.s32 v36, v47;
	v50 =	vand.u32 $0x7F, v48;
	v51 =	vand.u32 $0xFFFFFC00, v49  }
0xe1: {  	vm2 =	vmor vm1, vm0;
	v36 =	vor.u32 v51, v50  }
0xe2: {  	v36 =	vor.u32 v2, v36;
	_ =	sdelay $0x3  }
0xe3: {  	v52 =	vsel vm1, v34, v35  }
0xe4: {  	[tilespmem:v36+s24+$0x0] =	vst.idx.msk vm2, v52  }
0xe5: {  	[hbm4b:s20+s3] =	stream.linear.scatter [tilespmem:s24], [sflag:$0x2], $0x13C00, $0x38;
	[tilespmem:$0x13D80] =	vst v63  }
0xe6: {  	_ =	swait.ge [sflag:s25], $0x13C00  }
0xe7: {  	[sflag:s25] =	ssyncset.done $0x0  }
0xe8: {  	[sflag:s25] =	ssyncadd.s32 $0xFFFEC400  }
0xe9: {  	[tilespmem:v36+s24+$0x0] =	vst.idx.msk vm2, v3  }
0xea: {  	v36 =	vld.idx.msk [tilespmem:v30+s3+$0x0], $0xffff  }
0xeb: {  	v53 =	vld.idx.msk [tilespmem:v31+s26+$0x0], $0xffff;
	_ =	sdelay $0x4  }
0xec: {  	v54 =	vsel vm0, v36, v53  }
0xed: {  	v55 =	vshll.u32 v54, $0x3  }
0xee: {  	vm1 =	vne.s32 v36, v53;
	v56 =	vand.u32 $0x7F, v54;
	v57 =	vand.u32 $0xFFFFFC00, v55  }
0xef: {  	vm2 =	vmor vm1, vm0;
	v36 =	vor.u32 v57, v56  }
0xf0: {  	v36 =	vor.u32 v2, v36;
	_ =	sdelay $0x3  }
0xf1: {  	v58 =	vsel vm1, v34, v35  }
0xf2: {  	[tilespmem:v36+s24+$0x0] =	vst.idx.msk vm2, v58  }
0xf3: {  	[hbm4b:s21+s3] =	stream.linear.scatter [tilespmem:s24], [sflag:$0x2], $0x13C00, $0x38;
	[tilespmem:$0x13D80] =	vst v63  }
0xf4: {  	_ =	swait.ge [sflag:s25], $0x13C00  }
0xf5: {  	[sflag:s25] =	ssyncset.done $0x0  }
0xf6: {  	[sflag:s25] =	ssyncadd.s32 $0xFFFEC400  }
0xf7: {  	[tilespmem:v36+s24+$0x0] =	vst.idx.msk vm2, v3  }
0xf8: {  	v36 =	vld.idx.msk [tilespmem:v32+s3+$0x0], $0xffff  }
0xf9: {  	v59 =	vld.idx.msk [tilespmem:v33+s26+$0x0], $0xffff;
	_ =	sdelay $0x4  }
0xfa: {  	v60 =	vsel vm0, v36, v59  }
0xfb: {  	v61 =	vshll.u32 v60, $0x3  }
0xfc: {  	vm1 =	vne.s32 v36, v59;
	v62 =	vand.u32 $0x7F, v60;
	v63 =	vand.u32 $0xFFFFFC00, v61  }
0xfd: {  	vm2 =	vmor vm1, vm0;
	v36 =	vor.u32 v63, v62  }
0xfe: {  	v36 =	vor.u32 v2, v36;
	_ =	sdelay $0x3  }
0xff: {  	v34 =	vsel vm1, v34, v35  }
0x100: {  	p0 =	sne.s32 s23, $0x1;
	[tilespmem:v36+s24+$0x0] =	vst.idx.msk vm2, v34  }
0x101: {  	[hbm4b:s22+s3] =	stream.linear.scatter [tilespmem:s24], [sflag:$0x2], $0x13C00, $0x38;
	[tilespmem:$0x13D80] =	vst v63  }
.Ltmp0:
0x102: {  	_ = 	snop;
	(pc) =	sbr.rel @p0 .LBB2_1-.Ltmp0, $4  }
0x103: {  	_ =	swait.ge [sflag:s25], $0x13C00  }
0x104: {  	[sflag:s25] =	ssyncset.done $0x0  }
0x105: {  	[sflag:s25] =	ssyncadd.s32 $0xFFFEC400  }
0x106: {  	s23 =	sadd.s32 $0xFFFFFFFF, s23;
	[tilespmem:v36+s24+$0x0] =	vst.idx.msk vm2, v3  }
0x107: {  	_ =	sfence.sel $0x180000  }
0x108: {  	[bflag:$0x0] =	sbarrier.arrive $0xFFFF  }
0x109: {  	p0 =	sne.s32 s2, $0x0;
	_ =	strace $0x90000047  }
0x10a: {  	s0 =	sadd.s32 @!p0 $0x100000, s0;
	[bflag:$0x2] =	sbarrier.arrive $0xFFFF  }
0x10b: {  	[sflag:s0] =	ssyncadd.tile.s32 @!p0 $0x1;
	_ =	shalt  }
.Lfunc_end2:
_tile_overlayer_lowered:
.L_overlay_start_2:
0x10c: {  	(tag) =	ssettag $0x2  }
0x10d: {  	s0 =	rddreg [dreg:$0x0];
	s2 =	stileid.u32  }
0x10e: {  	s1 =	rddreg [dreg:$0x1];
	p0 =	sne.s32 s2, $0x0  }
0x10f: {  	s3 =	rddreg [dreg:$0x2];
	[bflag:$0x3] =	sbarrier.arrive $0xFFFF;
	s2 =	simm.s32 @!p0 $0x1C02  }
0x110: {  	[timem:s3], [sflag:s2] =	dma.local @!p0 [hbm:s0], s1  }
0x111: {  	s0 =	simm.s32 @!p0 $0x2  }
0x112: {  	_ =	swait.ge @!p0 [sflag:s0], s1  }
0x113: {  	s1 =	ssub.s32 @!p0 $0x0, s1;
	[sflag:s0] =	ssyncset.done @!p0 $0x0  }
0x114: {  	[sflag:s0] =	ssyncadd.s32 @!p0 s1  }
0x115: {  	[bflag:$0x3] =	sbarrier.arrive $0xFFFF  }
0x116: {  	_ =	shalt  }

</sc_bundles>
